<compile_context>
chip_gen: v7x
topology: tpu7x:2x2x1
jax: 0.10.2.dev20260603
libtpu: 0.0.44.dev20260713+nightly
codegen_flags: <defaults>
</compile_context>

<pallas_src>
import numpy as np
import jax
import jax.numpy as jnp
from jax.experimental import pallas as pl
from jax.experimental.pallas import tpu as pltpu

_STRIDES = [16, 32, 64, 107, 160, 320]
_MIN_SIZES = [48, 100, 150, 202, 253, 304]
_MAX_SIZES = [100, 150, 202, 253, 304, 320]
_FEAT_SIZES = [(20, 20), (10, 10), (5, 5), (3, 3), (2, 2), (1, 1)]
_NC = 80
_SCORE_THR = 0.02
_NMS_PRE = 1000
_IOU_THR = 0.45
_MAX_OUT = 200
_MAX_RATIO = float(abs(np.log(0.016)))

_NANCH = [fh * fw * 6 for fh, fw in _FEAT_SIZES]
_OFFS = np.concatenate([[0], np.cumsum(_NANCH)])
_ATOT = int(sum(_NANCH))
_APAD = 3328
_KS = [min(_NMS_PRE, n * _NC) for n in _NANCH]
_M = int(sum(_KS))
_ROWS, _LANES = 8, 704
_MP = _ROWS * _LANES


def _priors_np():
    ratios = np.array([1.0, 0.5, 2.0, 1.0 / 3.0, 3.0])
    outs = []
    for k in range(6):
        base = float(_MIN_SIZES[k])
        scales = np.array([1.0, np.sqrt(_MAX_SIZES[k] / _MIN_SIZES[k])])
        cx = cy = _STRIDES[k] / 2.0
        h_r = np.sqrt(ratios)
        w_r = 1.0 / h_r
        ws = (base * scales[:, None] * w_r[None, :]).reshape(-1)
        hs = (base * scales[:, None] * h_r[None, :]).reshape(-1)
        ba = np.stack([cx - 0.5 * ws, cy - 0.5 * hs, cx + 0.5 * ws, cy + 0.5 * hs], -1)
        ba = ba[[0, 5, 1, 2, 3, 4]].astype(np.float32)
        fh, fw = _FEAT_SIZES[k]
        s = float(_STRIDES[k])
        xx = np.tile(np.arange(fw, dtype=np.float32) * s, fh)
        yy = np.repeat(np.arange(fh, dtype=np.float32) * s, fw)
        shifts = np.stack([xx, yy, xx, yy], axis=-1)
        outs.append((ba[None, :, :] + shifts[:, None, :]).reshape(-1, 4))
    return np.concatenate(outs, axis=0).astype(np.float32)


_PRIORS = _priors_np()


def _score_decode_kernel(lg_ref, dx_ref, dy_ref, dw_ref, dh_ref,
                         px1_ref, py1_ref, px2_ref, py2_ref,
                         ms_ref, bx1_ref, by1_ref, bx2_ref, by2_ref):
    x = lg_ref[...]
    lane = jax.lax.broadcasted_iota(jnp.int32, x.shape, 1)
    neg = jnp.float32(-jnp.inf)
    m = jnp.max(jnp.where(lane < 81, x, neg), axis=-1, keepdims=True)
    e = jnp.where(lane < 81, jnp.exp(x - m), 0.0)
    s = e / jnp.sum(e, axis=-1, keepdims=True)
    ms_ref[...] = jnp.where((lane < _NC) & (s > _SCORE_THR), s, neg)

    dx = dx_ref[...] * 0.1
    dy = dy_ref[...] * 0.1
    dw = jnp.clip(dw_ref[...] * 0.2, -_MAX_RATIO, _MAX_RATIO)
    dh = jnp.clip(dh_ref[...] * 0.2, -_MAX_RATIO, _MAX_RATIO)
    px1, py1, px2, py2 = px1_ref[...], py1_ref[...], px2_ref[...], py2_ref[...]
    pw = px2 - px1
    ph = py2 - py1
    cx = (px1 + px2) * 0.5
    cy = (py1 + py2) * 0.5
    gx = cx + pw * dx
    gy = cy + ph * dy
    gw = pw * jnp.exp(dw)
    gh = ph * jnp.exp(dh)
    bx1_ref[...] = jnp.clip(gx - gw * 0.5, 0.0, 320.0)
    by1_ref[...] = jnp.clip(gy - gh * 0.5, 0.0, 320.0)
    bx2_ref[...] = jnp.clip(gx + gw * 0.5, 0.0, 320.0)
    by2_ref[...] = jnp.clip(gy + gh * 0.5, 0.0, 320.0)


def _nms_kernel(bx1_ref, by1_ref, bx2_ref, by2_ref, lab_ref, sc_ref, out_ref,
                x1s, y1s, x2s, y2s, area_s, supp_s):
    X1 = bx1_ref[0]
    Y1 = by1_ref[0]
    X2 = bx2_ref[0]
    Y2 = by2_ref[0]
    LF = lab_ref[0]
    SC = sc_ref[0]
    neg = jnp.float32(-jnp.inf)
    V = SC > _SCORE_THR
    raw = jnp.maximum(
        jnp.max(jnp.where(V, X1, neg)),
        jnp.maximum(jnp.max(jnp.where(V, Y1, neg)),
                    jnp.maximum(jnp.max(jnp.where(V, X2, neg)),
                                jnp.max(jnp.where(V, Y2, neg)))))
    any_v = jnp.any(V)
    offv = jnp.where(any_v, raw, jnp.float32(0.0)) + 1.0

    x1s[...] = X1 + LF * offv
    y1s[...] = Y1 + LF * offv
    x2s[...] = X2 + LF * offv
    y2s[...] = Y2 + LF * offv
    area_s[...] = (X2 - X1) * (Y2 - Y1)
    supp_s[...] = jnp.zeros((_ROWS, _LANES), jnp.float32)

    sub = jax.lax.broadcasted_iota(jnp.int32, (_ROWS, _LANES), 0)
    lane = jax.lax.broadcasted_iota(jnp.int32, (_ROWS, _LANES), 1)
    fidx = sub * _LANES + lane

    l2 = jax.lax.broadcasted_iota(jnp.int32, (208, 128), 1)
    s2 = jax.lax.broadcasted_iota(jnp.int32, (208, 128), 0)
    out_ref[0] = jnp.where(l2 == 5, jnp.float32(-1.0), jnp.float32(0.0))

    zero = jnp.float32(0.0)

    def cond(st):
        i, nk = st
        return (i < _M) & (nk < _MAX_OUT)

    def body(st):
        i, nk = st
        msk = fidx == i
        sci = jnp.sum(jnp.where(msk, SC, zero))
        vi = sci > _SCORE_THR
        si = jnp.sum(jnp.where(msk, supp_s[...], zero))
        keep = vi & (si == 0.0)

        ox1 = jnp.sum(jnp.where(msk, X1, zero))
        oy1 = jnp.sum(jnp.where(msk, Y1, zero))
        ox2 = jnp.sum(jnp.where(msk, X2, zero))
        oy2 = jnp.sum(jnp.where(msk, Y2, zero))
        lbi = jnp.sum(jnp.where(msk, LF, zero))
        off = lbi * offv
        px1 = ox1 + off
        py1 = oy1 + off
        px2 = ox2 + off
        py2 = oy2 + off

        xx1 = jnp.maximum(px1, x1s[...])
        yy1 = jnp.maximum(py1, y1s[...])
        xx2 = jnp.minimum(px2, x2s[...])
        yy2 = jnp.minimum(py2, y2s[...])
        inter = jnp.maximum(0.0, xx2 - xx1) * jnp.maximum(0.0, yy2 - yy1)
        ai = (px2 - px1) * (py2 - py1)
        iou = inter / (ai + area_s[...] - inter + 1e-12)
        supp_s[...] = jnp.where(keep & (iou > _IOU_THR) & (fidx > i),
                                jnp.float32(1.0), supp_s[...])

        @pl.when(keep)
        def _():
            row = jnp.where(l2 == 0, ox1,
                  jnp.where(l2 == 1, oy1,
                  jnp.where(l2 == 2, ox2,
                  jnp.where(l2 == 3, oy2,
                  jnp.where(l2 == 4, sci,
                  jnp.where(l2 == 5, lbi, zero))))))
            out_ref[0] = jnp.where(s2 == nk, row, out_ref[0])

        i_next = jnp.where(vi, i + 1, _M)
        nk_next = nk + jnp.where(keep, 1, 0)
        return (i_next, nk_next)

    jax.lax.while_loop(cond, body, (jnp.int32(0), jnp.int32(0)))


def _topk_rounds(flat, k):
    b = flat.shape[0]
    rounds = -(-k // 128)
    vs, ids = [], []
    f = flat
    for r in range(rounds):
        v, i = jax.lax.top_k(f, 128)
        vs.append(v)
        ids.append(i)
        if r < rounds - 1:
            f = jax.vmap(lambda row, ii: row.at[ii].set(-jnp.inf))(f, i)
    return (jnp.concatenate(vs, axis=1)[:, :k],
            jnp.concatenate(ids, axis=1)[:, :k])


def kernel(cls_score_0, bbox_pred_0, cls_score_1, bbox_pred_1,
           cls_score_2, bbox_pred_2, cls_score_3, bbox_pred_3,
           cls_score_4, bbox_pred_4, cls_score_5, bbox_pred_5):
    cls = [cls_score_0, cls_score_1, cls_score_2, cls_score_3, cls_score_4, cls_score_5]
    bps = [bbox_pred_0, bbox_pred_1, bbox_pred_2, bbox_pred_3, bbox_pred_4, bbox_pred_5]
    B = cls[0].shape[0]

    logits = jnp.concatenate(
        [jnp.transpose(c, (0, 2, 3, 1)).reshape(B, -1, _NC + 1) for c in cls], axis=1)
    logits = jnp.pad(logits, ((0, 0), (0, 0), (0, 128 - (_NC + 1)))).reshape(B * _ATOT, 128)

    deltas = jnp.concatenate(
        [jnp.transpose(p, (0, 2, 3, 1)).reshape(B, -1, 4) for p in bps], axis=1)
    deltas = jnp.pad(deltas, ((0, 0), (0, _APAD - _ATOT), (0, 0)))
    dcomp = [deltas[:, :, j].reshape(B * (_APAD // 128), 128) for j in range(4)]

    prn = np.pad(_PRIORS, ((0, _APAD - _ATOT), (0, 0)))
    pcomp = [jnp.asarray(np.broadcast_to(prn[None, :, j], (B, _APAD))
                         .reshape(B * (_APAD // 128), 128)) for j in range(4)]

    f32 = jnp.float32
    ms, bx1a, by1a, bx2a, by2a = pl.pallas_call(
        _score_decode_kernel,
        out_shape=[
            jax.ShapeDtypeStruct((B * _ATOT, 128), f32),
            jax.ShapeDtypeStruct((B * (_APAD // 128), 128), f32),
            jax.ShapeDtypeStruct((B * (_APAD // 128), 128), f32),
            jax.ShapeDtypeStruct((B * (_APAD // 128), 128), f32),
            jax.ShapeDtypeStruct((B * (_APAD // 128), 128), f32),
        ],
    )(logits, *dcomp, *pcomp)

    ms = ms.reshape(B, _ATOT, 128)[:, :, :_NC]
    boxes_all = jnp.stack(
        [a.reshape(B, _APAD) for a in (bx1a, by1a, bx2a, by2a)], axis=-1)

    vals_l, pidx_l = [], []
    for lvl in range(6):
        o, n, k = int(_OFFS[lvl]), _NANCH[lvl], _KS[lvl]
        flat = ms[:, o:o + n, :].reshape(B, n * _NC)
        if k == n * _NC:
            v = flat
            idx = jnp.broadcast_to(jnp.arange(k, dtype=jnp.int32), (B, k))
        else:
            v, idx = _topk_rounds(flat, k)
        vals_l.append(v)
        pidx_l.append(_NC * o + idx)

    scores = jnp.concatenate(vals_l, axis=1)
    pidx = jnp.concatenate(pidx_l, axis=1)

    gorder = jnp.argsort(-scores, axis=1)
    scores = jnp.take_along_axis(scores, gorder, axis=1)
    pidx = jnp.take_along_axis(pidx, gorder, axis=1)
    labels = pidx % _NC
    agl = pidx // _NC
    sboxes = jnp.take_along_axis(boxes_all, agl[:, :, None], axis=1)

    pad = _MP - _M
    scores = jnp.pad(scores, ((0, 0), (0, pad)), constant_values=-jnp.inf)
    labf = jnp.pad(labels.astype(f32), ((0, 0), (0, pad)))
    sboxes = jnp.pad(sboxes, ((0, 0), (0, pad), (0, 0)))

    shp = (B, _ROWS, _LANES)
    vecs = [sboxes[:, :, j].reshape(shp) for j in range(4)]
    vecs += [labf.reshape(shp), scores.reshape(shp)]

    out = pl.pallas_call(
        _nms_kernel,
        grid=(B,),
        in_specs=[pl.BlockSpec((1, _ROWS, _LANES), lambda b: (b, 0, 0))] * 6,
        out_specs=pl.BlockSpec((1, 208, 128), lambda b: (b, 0, 0)),
        out_shape=jax.ShapeDtypeStruct((B, 208, 128), f32),
        scratch_shapes=[pltpu.VMEM((_ROWS, _LANES), f32)] * 6,
    )(*vecs)

    dets = out[:, :_MAX_OUT, :5]
    labs = out[:, :_MAX_OUT, 5].astype(jnp.int32)
    return dets, labs

# --- scband reference (transcript-rebuilt; emitter-appended) ---
"""Pipeline reference for scband-ssdbbox-61624190763481 (READ-ONLY COPY).

The authoritative reference and input builder live on the scoring server;
editing this copy changes nothing except your own understanding.
"""

import jax, jax.numpy as jnp
import numpy as np

STRIDES = [16, 32, 64, 107, 160, 320]
MIN_SIZES = [48, 100, 150, 202, 253, 304]
MAX_SIZES = [100, 150, 202, 253, 304, 320]
FEAT_SIZES = [(20, 20), (10, 10), (5, 5), (3, 3), (2, 2), (1, 1)]
NUM_CLASSES = 80
NUM_ANCHORS = 6
SCORE_THR = 0.02
NMS_PRE = 1000
IOU_THR = 0.45
MAX_PER_IMG = 200
MAX_RATIO = float(abs(np.log(0.016)))
B = 4

def gen_base_anchors():
    outs = []
    ratios = np.array([1.0, 0.5, 2.0, 1.0 / 3.0, 3.0])
    for k in range(6):
        base = float(MIN_SIZES[k])
        scales = np.array([1.0, np.sqrt(MAX_SIZES[k] / MIN_SIZES[k])])
        cx = cy = STRIDES[k] / 2.0
        h_r = np.sqrt(ratios)
        w_r = 1.0 / h_r
        ws = (base * scales[:, None] * w_r[None, :]).reshape(-1)
        hs = (base * scales[:, None] * h_r[None, :]).reshape(-1)
        ba = np.stack([cx - 0.5 * ws, cy - 0.5 * hs, cx + 0.5 * ws, cy + 0.5 * hs], axis=-1)
        outs.append(ba[[0, 5, 1, 2, 3, 4]].astype(np.float32))
    return outs

def grid_priors():
    base = gen_base_anchors()
    priors = []
    for k, (fh, fw) in enumerate(FEAT_SIZES):
        s = float(STRIDES[k])
        xx = np.tile(np.arange(fw, dtype=np.float32) * s, fh)
        yy = np.repeat(np.arange(fh, dtype=np.float32) * s, fw)
        shifts = np.stack([xx, yy, xx, yy], axis=-1)
        priors.append((base[k][None, :, :] + shifts[:, None, :]).reshape(-1, 4).astype(np.float32))
    return priors

def softmax_np(x):
    m = x.max(axis=-1, keepdims=True)
    e = np.exp(x - m)
    return e / e.sum(axis=-1, keepdims=True)

def delta2bbox_np(rois, deltas):
    stds = np.array([0.1, 0.1, 0.2, 0.2], dtype=np.float32)
    d = deltas * stds
    dxy = d[:, :2]
    dwh = np.clip(d[:, 2:], -MAX_RATIO, MAX_RATIO)
    pxy = (rois[:, :2] + rois[:, 2:]) * 0.5
    pwh = rois[:, 2:] - rois[:, :2]
    gxy = pxy + pwh * dxy
    gwh = pwh * np.exp(dwh)
    b = np.concatenate([gxy - gwh * 0.5, gxy + gwh * 0.5], axis=-1)
    return np.clip(b, 0.0, 320.0)

def nms_np(boxes, scores, iou_thr):
    order = np.argsort(-scores, kind='stable')
    x1, y1, x2, y2 = boxes[:, 0], boxes[:, 1], boxes[:, 2], boxes[:, 3]
    areas = (x2 - x1) * (y2 - y1)
    keep = []
    while order.size > 0:
        i = order[0]
        keep.append(i)
        rest = order[1:]
        xx1 = np.maximum(x1[i], x1[rest])
        yy1 = np.maximum(y1[i], y1[rest])
        xx2 = np.minimum(x2[i], x2[rest])
        yy2 = np.minimum(y2[i], y2[rest])
        inter = np.maximum(0.0, xx2 - xx1) * np.maximum(0.0, yy2 - yy1)
        iou = inter / (areas[i] + areas[rest] - inter + 1e-12)
        order = rest[iou <= iou_thr]
    return np.array(keep, dtype=np.int64)

def delta2bbox_jnp(rois, deltas):
    stds = jnp.array([0.1, 0.1, 0.2, 0.2], dtype=jnp.float32)
    d = deltas * stds
    dxy = d[:, :2]
    dwh = jnp.clip(d[:, 2:], -MAX_RATIO, MAX_RATIO)
    pxy = (rois[:, :2] + rois[:, 2:]) * 0.5
    pwh = rois[:, 2:] - rois[:, :2]
    gxy = pxy + pwh * dxy
    gwh = pwh * jnp.exp(dwh)
    b = jnp.concatenate([gxy - gwh * 0.5, gxy + gwh * 0.5], axis=-1)
    return jnp.clip(b, 0.0, 320.0)

def nms_fixed(boxes, valid, iou_thr):
    M = boxes.shape[0]
    x1, y1, x2, y2 = boxes[:, 0], boxes[:, 1], boxes[:, 2], boxes[:, 3]
    areas = (x2 - x1) * (y2 - y1)
    idxs = jnp.arange(M)

    def body(i, state):
        suppressed, kept = state
        keep_i = valid[i] & jnp.logical_not(suppressed[i])
        xx1 = jnp.maximum(x1[i], x1)
        yy1 = jnp.maximum(y1[i], y1)
        xx2 = jnp.minimum(x2[i], x2)
        yy2 = jnp.minimum(y2[i], y2)
        inter = jnp.maximum(0.0, xx2 - xx1) * jnp.maximum(0.0, yy2 - yy1)
        iou = inter / (areas[i] + areas - inter + 1e-12)
        suppressed = suppressed | (keep_i & (iou > iou_thr) & (idxs > i))
        kept = kept.at[i].set(keep_i)
        return suppressed, kept

    suppressed0 = jnp.zeros((M,), dtype=bool)
    kept0 = jnp.zeros((M,), dtype=bool)
    _, kept = jax.lax.fori_loop(0, M, body, (suppressed0, kept0))
    return kept

def setup_inputs(seed=0):
    key = jax.random.key(seed)
    inp = {}
    for i, (fh, fw) in enumerate(FEAT_SIZES):
        key, k1, k2 = jax.random.split(key, 3)
        inp['cls_score_%d' % i] = jax.random.normal(k1, (B, NUM_ANCHORS * (NUM_CLASSES + 1), fh, fw), dtype=jnp.float32)
        inp['bbox_pred_%d' % i] = jax.random.normal(k2, (B, NUM_ANCHORS * 4, fh, fw), dtype=jnp.float32)
    return inp

def reference(cls_score_0, bbox_pred_0, cls_score_1, bbox_pred_1,
              cls_score_2, bbox_pred_2, cls_score_3, bbox_pred_3,
              cls_score_4, bbox_pred_4, cls_score_5, bbox_pred_5):
    cls_scores = [cls_score_0, cls_score_1, cls_score_2, cls_score_3, cls_score_4, cls_score_5]
    bbox_preds = [bbox_pred_0, bbox_pred_1, bbox_pred_2, bbox_pred_3, bbox_pred_4, bbox_pred_5]
    priors = [jnp.asarray(p) for p in grid_priors()]
    nb = cls_scores[0].shape[0]
    C = NUM_CLASSES + 1
    dets_rows, label_rows = [], []
    for b in range(nb):
        all_boxes, all_scores, all_labels, all_valid = [], [], [], []
        for lvl in range(6):
            x = jnp.transpose(cls_scores[lvl][b], (1, 2, 0)).reshape(-1, C)
            m = jnp.max(x, axis=-1, keepdims=True)
            e = jnp.exp(x - m)
            s = (e / jnp.sum(e, axis=-1, keepdims=True))[:, :-1]
            bp = jnp.transpose(bbox_preds[lvl][b], (1, 2, 0)).reshape(-1, 4)
            flat = s.reshape(-1)
            valid = flat > SCORE_THR
            masked = jnp.where(valid, flat, -jnp.inf)
            K = min(NMS_PRE, flat.shape[0])
            order = jnp.argsort(-masked)[:K]
            a = order // NUM_CLASSES
            lab = order % NUM_CLASSES
            all_boxes.append(delta2bbox_jnp(priors[lvl][a], bp[a]))
            all_scores.append(masked[order])
            all_labels.append(lab)
            all_valid.append(valid[order])
        boxes = jnp.concatenate(all_boxes, axis=0)
        scores = jnp.concatenate(all_scores, axis=0)
        labels = jnp.concatenate(all_labels, axis=0)
        vmask = jnp.concatenate(all_valid, axis=0)
        raw_max = jnp.max(jnp.where(vmask[:, None], boxes, -jnp.inf))
        bmax = jnp.where(jnp.any(vmask), raw_max, jnp.float32(0.0))
        offsets = labels.astype(jnp.float32) * (bmax + 1.0)
        gorder = jnp.argsort(-scores)
        sb = (boxes + offsets[:, None])[gorder]
        sob = boxes[gorder]
        ss = scores[gorder]
        sl = labels[gorder]
        sv = vmask[gorder]
        kept = nms_fixed(sb, sv, IOU_THR)
        rank = jnp.cumsum(kept.astype(jnp.int32)) - 1
        pos = jnp.where(kept & (rank < MAX_PER_IMG), rank, MAX_PER_IMG)
        det_row = jnp.zeros((MAX_PER_IMG, 5), dtype=jnp.float32)
        det_row = det_row.at[pos].set(jnp.concatenate([sob, ss[:, None]], axis=-1), mode='drop')
        lab_row = (-jnp.ones((MAX_PER_IMG,), dtype=jnp.int32)).at[pos].set(sl.astype(jnp.int32), mode='drop')
        dets_rows.append(det_row)
        label_rows.append(lab_row)
    return jnp.stack(dets_rows), jnp.stack(label_rows)

if __name__ == "__main__":
    import jax
    _d = setup_inputs()
    print(jax.jit(kernel)(*tuple(_d.values())))

</pallas_src>

<mosaic_0001>
module attributes {stable_mosaic.version = 14 : i64} {
  func.func @_score_decode_kernel(%arg0: memref<12936x128xf32, #tpu.memory_space<vmem>>, %arg1: memref<104x128xf32, #tpu.memory_space<vmem>>, %arg2: memref<104x128xf32, #tpu.memory_space<vmem>>, %arg3: memref<104x128xf32, #tpu.memory_space<vmem>>, %arg4: memref<104x128xf32, #tpu.memory_space<vmem>>, %arg5: memref<104x128xf32, #tpu.memory_space<vmem>>, %arg6: memref<104x128xf32, #tpu.memory_space<vmem>>, %arg7: memref<104x128xf32, #tpu.memory_space<vmem>>, %arg8: memref<104x128xf32, #tpu.memory_space<vmem>>, %arg9: memref<12936x128xf32, #tpu.memory_space<vmem>>, %arg10: memref<104x128xf32, #tpu.memory_space<vmem>>, %arg11: memref<104x128xf32, #tpu.memory_space<vmem>>, %arg12: memref<104x128xf32, #tpu.memory_space<vmem>>, %arg13: memref<104x128xf32, #tpu.memory_space<vmem>>) attributes {dimension_semantics = [], scalar_prefetch = 0 : i64, scratch_operands = 0 : i64, tpu.core_type = #tpu.core_type<tc>} {
    %get3A = arith.constant 0 : index
    %get3A_0 = arith.constant 0 : index
    %get3A_1 = vector.load %arg0[%get3A, %get3A_0] : memref<12936x128xf32, #tpu.memory_space<vmem>>, vector<12936x128xf32>
    %iota3A = tpu.iota {dimensions = array<i32: 1>} : vector<12936x128xi32>
    %lt3A = arith.constant 81 : i32
    %lt3A_2 = vector.broadcast %lt3A : i32 to vector<12936x128xi32>
    %lt3A_3 = arith.cmpi slt, %iota3A, %lt3A_2 : vector<12936x128xi32>
    %jit3A = arith.constant 0xFF800000 : f32
    %broadcast_in_dim3A = vector.broadcast %jit3A : f32 to vector<12936x128xf32>
    %select_n3A = arith.select %lt3A_3, %get3A_1, %broadcast_in_dim3A : vector<12936x128xi1>, vector<12936x128xf32>
    %reduce_max3A = arith.constant dense<0xFF800000> : vector<12936xf32>
    %reduce_max3A_4 = vector.multi_reduction <maximumf>, %select_n3A, %reduce_max3A [1] : vector<12936x128xf32> to vector<12936xf32>
    %broadcast_in_dim3A_5 = vector.shape_cast %reduce_max3A_4 : vector<12936xf32> to vector<12936x1xf32>
    %lt3A_6 = arith.constant 81 : i32
    %lt3A_7 = vector.broadcast %lt3A_6 : i32 to vector<12936x128xi32>
    %lt3A_8 = arith.cmpi slt, %iota3A, %lt3A_7 : vector<12936x128xi32>
    %sub3A = vector.broadcast %broadcast_in_dim3A_5 : vector<12936x1xf32> to vector<12936x128xf32>
    %sub3A_9 = arith.subf %get3A_1, %sub3A : vector<12936x128xf32>
    %exp3A = math.exp %sub3A_9 : vector<12936x128xf32>
    %jit3A_10 = arith.constant 0.000000e+00 : f32
    %broadcast_in_dim3A_11 = vector.broadcast %jit3A_10 : f32 to vector<12936x128xf32>
    %select_n3A_12 = arith.select %lt3A_8, %exp3A, %broadcast_in_dim3A_11 : vector<12936x128xi1>, vector<12936x128xf32>
    %reduce_sum3A = arith.constant dense<0.000000e+00> : vector<12936xf32>
    %reduce_sum3A_13 = vector.multi_reduction <add>, %select_n3A_12, %reduce_sum3A [1] : vector<12936x128xf32> to vector<12936xf32>
    %broadcast_in_dim3A_14 = vector.shape_cast %reduce_sum3A_13 : vector<12936xf32> to vector<12936x1xf32>
    %div3A = vector.broadcast %broadcast_in_dim3A_14 : vector<12936x1xf32> to vector<12936x128xf32>
    %div3A_15 = arith.divf %select_n3A_12, %div3A : vector<12936x128xf32>
    %lt3A_16 = arith.constant 80 : i32
    %lt3A_17 = vector.broadcast %lt3A_16 : i32 to vector<12936x128xi32>
    %lt3A_18 = arith.cmpi slt, %iota3A, %lt3A_17 : vector<12936x128xi32>
    %gt3A = arith.constant 2.000000e-02 : f32
    %gt3A_19 = vector.broadcast %gt3A : f32 to vector<12936x128xf32>
    %gt3A_20 = arith.cmpf ogt, %div3A_15, %gt3A_19 : vector<12936x128xf32>
    %and3A = arith.andi %lt3A_18, %gt3A_20 : vector<12936x128xi1>
    %jit3A_21 = arith.constant 0xFF800000 : f32
    %broadcast_in_dim3A_22 = vector.broadcast %jit3A_21 : f32 to vector<12936x128xf32>
    %select_n3A_23 = arith.select %and3A, %div3A_15, %broadcast_in_dim3A_22 : vector<12936x128xi1>, vector<12936x128xf32>
    %swap3A = arith.constant 0 : index
    %swap3A_24 = arith.constant 0 : index
    %swap3A_25 = vector.load %arg9[%swap3A, %swap3A_24] : memref<12936x128xf32, #tpu.memory_space<vmem>>, vector<12936x128xf32>
    tpu.vector_store %arg9[%swap3A, %swap3A_24], %select_n3A_23 {strides = array<i32>} : memref<12936x128xf32, #tpu.memory_space<vmem>>, vector<12936x128xf32>,
    %get3A_26 = arith.constant 0 : index
    %get3A_27 = arith.constant 0 : index
    %get3A_28 = vector.load %arg1[%get3A_26, %get3A_27] : memref<104x128xf32, #tpu.memory_space<vmem>>, vector<104x128xf32>
    %mul3A = arith.constant 1.000000e-01 : f32
    %mul3A_29 = vector.broadcast %mul3A : f32 to vector<104x128xf32>
    %mul3A_30 = arith.mulf %get3A_28, %mul3A_29 : vector<104x128xf32>
    %get3A_31 = arith.constant 0 : index
    %get3A_32 = arith.constant 0 : index
    %get3A_33 = vector.load %arg2[%get3A_31, %get3A_32] : memref<104x128xf32, #tpu.memory_space<vmem>>, vector<104x128xf32>
    %mul3A_34 = arith.constant 1.000000e-01 : f32
    %mul3A_35 = vector.broadcast %mul3A_34 : f32 to vector<104x128xf32>
    %mul3A_36 = arith.mulf %get3A_33, %mul3A_35 : vector<104x128xf32>
    %get3A_37 = arith.constant 0 : index
    %get3A_38 = arith.constant 0 : index
    %get3A_39 = vector.load %arg3[%get3A_37, %get3A_38] : memref<104x128xf32, #tpu.memory_space<vmem>>, vector<104x128xf32>
    %mul3A_40 = arith.constant 2.000000e-01 : f32
    %mul3A_41 = vector.broadcast %mul3A_40 : f32 to vector<104x128xf32>
    %mul3A_42 = arith.mulf %get3A_39, %mul3A_41 : vector<104x128xf32>
    %jit3A_43 = arith.constant -4.13516665 : f32
    %jit3A_44 = arith.constant 4.13516665 : f32
    %max3A = vector.broadcast %jit3A_43 : f32 to vector<104x128xf32>
    %max3A_45 = arith.maximumf %max3A, %mul3A_42 : vector<104x128xf32>
    %min3A = vector.broadcast %jit3A_44 : f32 to vector<104x128xf32>
    %min3A_46 = arith.minimumf %min3A, %max3A_45 : vector<104x128xf32>
    %get3A_47 = arith.constant 0 : index
    %get3A_48 = arith.constant 0 : index
    %get3A_49 = vector.load %arg4[%get3A_47, %get3A_48] : memref<104x128xf32, #tpu.memory_space<vmem>>, vector<104x128xf32>
    %mul3A_50 = arith.constant 2.000000e-01 : f32
    %mul3A_51 = vector.broadcast %mul3A_50 : f32 to vector<104x128xf32>
    %mul3A_52 = arith.mulf %get3A_49, %mul3A_51 : vector<104x128xf32>
    %jit3A_53 = arith.constant -4.13516665 : f32
    %jit3A_54 = arith.constant 4.13516665 : f32
    %max3A_55 = vector.broadcast %jit3A_53 : f32 to vector<104x128xf32>
    %max3A_56 = arith.maximumf %max3A_55, %mul3A_52 : vector<104x128xf32>
    %min3A_57 = vector.broadcast %jit3A_54 : f32 to vector<104x128xf32>
    %min3A_58 = arith.minimumf %min3A_57, %max3A_56 : vector<104x128xf32>
    %get3A_59 = arith.constant 0 : index
    %get3A_60 = arith.constant 0 : index
    %get3A_61 = vector.load %arg5[%get3A_59, %get3A_60] : memref<104x128xf32, #tpu.memory_space<vmem>>, vector<104x128xf32>
    %get3A_62 = arith.constant 0 : index
    %get3A_63 = arith.constant 0 : index
    %get3A_64 = vector.load %arg6[%get3A_62, %get3A_63] : memref<104x128xf32, #tpu.memory_space<vmem>>, vector<104x128xf32>
    %get3A_65 = arith.constant 0 : index
    %get3A_66 = arith.constant 0 : index
    %get3A_67 = vector.load %arg7[%get3A_65, %get3A_66] : memref<104x128xf32, #tpu.memory_space<vmem>>, vector<104x128xf32>
    %get3A_68 = arith.constant 0 : index
    %get3A_69 = arith.constant 0 : index
    %get3A_70 = vector.load %arg8[%get3A_68, %get3A_69] : memref<104x128xf32, #tpu.memory_space<vmem>>, vector<104x128xf32>
    %sub3A_71 = arith.subf %get3A_67, %get3A_61 : vector<104x128xf32>
    %sub3A_72 = arith.subf %get3A_70, %get3A_64 : vector<104x128xf32>
    %add3A = arith.addf %get3A_61, %get3A_67 : vector<104x128xf32>
    %mul3A_73 = arith.constant 5.000000e-01 : f32
    %mul3A_74 = vector.broadcast %mul3A_73 : f32 to vector<104x128xf32>
    %mul3A_75 = arith.mulf %add3A, %mul3A_74 : vector<104x128xf32>
    %add3A_76 = arith.addf %get3A_64, %get3A_70 : vector<104x128xf32>
    %mul3A_77 = arith.constant 5.000000e-01 : f32
    %mul3A_78 = vector.broadcast %mul3A_77 : f32 to vector<104x128xf32>
    %mul3A_79 = arith.mulf %add3A_76, %mul3A_78 : vector<104x128xf32>
    %mul3A_80 = arith.mulf %sub3A_71, %mul3A_30 : vector<104x128xf32>
    %add3A_81 = arith.addf %mul3A_75, %mul3A_80 : vector<104x128xf32>
    %mul3A_82 = arith.mulf %sub3A_72, %mul3A_36 : vector<104x128xf32>
    %add3A_83 = arith.addf %mul3A_79, %mul3A_82 : vector<104x128xf32>
    %exp3A_84 = math.exp %min3A_46 : vector<104x128xf32>
    %mul3A_85 = arith.mulf %sub3A_71, %exp3A_84 : vector<104x128xf32>
    %exp3A_86 = math.exp %min3A_58 : vector<104x128xf32>
    %mul3A_87 = arith.mulf %sub3A_72, %exp3A_86 : vector<104x128xf32>
    %mul3A_88 = arith.constant 5.000000e-01 : f32
    %mul3A_89 = vector.broadcast %mul3A_88 : f32 to vector<104x128xf32>
    %mul3A_90 = arith.mulf %mul3A_85, %mul3A_89 : vector<104x128xf32>
    %sub3A_91 = arith.subf %add3A_81, %mul3A_90 : vector<104x128xf32>
    %jit3A_92 = arith.constant 0.000000e+00 : f32
    %jit3A_93 = arith.constant 3.200000e+02 : f32
    %max3A_94 = vector.broadcast %jit3A_92 : f32 to vector<104x128xf32>
    %max3A_95 = arith.maximumf %max3A_94, %sub3A_91 : vector<104x128xf32>
    %min3A_96 = vector.broadcast %jit3A_93 : f32 to vector<104x128xf32>
    %min3A_97 = arith.minimumf %min3A_96, %max3A_95 : vector<104x128xf32>
    %swap3A_98 = arith.constant 0 : index
    %swap3A_99 = arith.constant 0 : index
    %swap3A_100 = vector.load %arg10[%swap3A_98, %swap3A_99] : memref<104x128xf32, #tpu.memory_space<vmem>>, vector<104x128xf32>
    tpu.vector_store %arg10[%swap3A_98, %swap3A_99], %min3A_97 {strides = array<i32>} : memref<104x128xf32, #tpu.memory_space<vmem>>, vector<104x128xf32>,
    %mul3A_101 = arith.constant 5.000000e-01 : f32
    %mul3A_102 = vector.broadcast %mul3A_101 : f32 to vector<104x128xf32>
    %mul3A_103 = arith.mulf %mul3A_87, %mul3A_102 : vector<104x128xf32>
    %sub3A_104 = arith.subf %add3A_83, %mul3A_103 : vector<104x128xf32>
    %jit3A_105 = arith.constant 0.000000e+00 : f32
    %jit3A_106 = arith.constant 3.200000e+02 : f32
    %max3A_107 = vector.broadcast %jit3A_105 : f32 to vector<104x128xf32>
    %max3A_108 = arith.maximumf %max3A_107, %sub3A_104 : vector<104x128xf32>
    %min3A_109 = vector.broadcast %jit3A_106 : f32 to vector<104x128xf32>
    %min3A_110 = arith.minimumf %min3A_109, %max3A_108 : vector<104x128xf32>
    %swap3A_111 = arith.constant 0 : index
    %swap3A_112 = arith.constant 0 : index
    %swap3A_113 = vector.load %arg11[%swap3A_111, %swap3A_112] : memref<104x128xf32, #tpu.memory_space<vmem>>, vector<104x128xf32>
    tpu.vector_store %arg11[%swap3A_111, %swap3A_112], %min3A_110 {strides = array<i32>} : memref<104x128xf32, #tpu.memory_space<vmem>>, vector<104x128xf32>,
    %mul3A_114 = arith.constant 5.000000e-01 : f32
    %mul3A_115 = vector.broadcast %mul3A_114 : f32 to vector<104x128xf32>
    %mul3A_116 = arith.mulf %mul3A_85, %mul3A_115 : vector<104x128xf32>
    %add3A_117 = arith.addf %add3A_81, %mul3A_116 : vector<104x128xf32>
    %jit3A_118 = arith.constant 0.000000e+00 : f32
    %jit3A_119 = arith.constant 3.200000e+02 : f32
    %max3A_120 = vector.broadcast %jit3A_118 : f32 to vector<104x128xf32>
    %max3A_121 = arith.maximumf %max3A_120, %add3A_117 : vector<104x128xf32>
    %min3A_122 = vector.broadcast %jit3A_119 : f32 to vector<104x128xf32>
    %min3A_123 = arith.minimumf %min3A_122, %max3A_121 : vector<104x128xf32>
    %swap3A_124 = arith.constant 0 : index
    %swap3A_125 = arith.constant 0 : index
    %swap3A_126 = vector.load %arg12[%swap3A_124, %swap3A_125] : memref<104x128xf32, #tpu.memory_space<vmem>>, vector<104x128xf32>
    tpu.vector_store %arg12[%swap3A_124, %swap3A_125], %min3A_123 {strides = array<i32>} : memref<104x128xf32, #tpu.memory_space<vmem>>, vector<104x128xf32>,
    %mul3A_127 = arith.constant 5.000000e-01 : f32
    %mul3A_128 = vector.broadcast %mul3A_127 : f32 to vector<104x128xf32>
    %mul3A_129 = arith.mulf %mul3A_87, %mul3A_128 : vector<104x128xf32>
    %add3A_130 = arith.addf %add3A_83, %mul3A_129 : vector<104x128xf32>
    %jit3A_131 = arith.constant 0.000000e+00 : f32
    %jit3A_132 = arith.constant 3.200000e+02 : f32
    %max3A_133 = vector.broadcast %jit3A_131 : f32 to vector<104x128xf32>
    %max3A_134 = arith.maximumf %max3A_133, %add3A_130 : vector<104x128xf32>
    %min3A_135 = vector.broadcast %jit3A_132 : f32 to vector<104x128xf32>
    %min3A_136 = arith.minimumf %min3A_135, %max3A_134 : vector<104x128xf32>
    %swap3A_137 = arith.constant 0 : index
    %swap3A_138 = arith.constant 0 : index
    %swap3A_139 = vector.load %arg13[%swap3A_137, %swap3A_138] : memref<104x128xf32, #tpu.memory_space<vmem>>, vector<104x128xf32>
    tpu.vector_store %arg13[%swap3A_137, %swap3A_138], %min3A_136 {strides = array<i32>} : memref<104x128xf32, #tpu.memory_space<vmem>>, vector<104x128xf32>,
    return
  }
}

module attributes {stable_mosaic.version = 14 : i64} {
  func.func @_nms_kernel(%arg0: i32, %arg1: memref<1x8x704xf32, #tpu.memory_space<vmem>>, %arg2: memref<1x8x704xf32, #tpu.memory_space<vmem>>, %arg3: memref<1x8x704xf32, #tpu.memory_space<vmem>>, %arg4: memref<1x8x704xf32, #tpu.memory_space<vmem>>, %arg5: memref<1x8x704xf32, #tpu.memory_space<vmem>>, %arg6: memref<1x8x704xf32, #tpu.memory_space<vmem>>, %arg7: memref<1x208x128xf32, #tpu.memory_space<vmem>>, %arg8: memref<8x704xf32, #tpu.memory_space<vmem>>, %arg9: memref<8x704xf32, #tpu.memory_space<vmem>>, %arg10: memref<8x704xf32, #tpu.memory_space<vmem>>, %arg11: memref<8x704xf32, #tpu.memory_space<vmem>>, %arg12: memref<8x704xf32, #tpu.memory_space<vmem>>, %arg13: memref<8x704xf32, #tpu.memory_space<vmem>>) attributes {dimension_semantics = [#tpu.dimension_semantics<arbitrary>], iteration_bounds = array<i64: 4>, scalar_prefetch = 0 : i64, scratch_operands = 6 : i64, tpu.core_type = #tpu.core_type<tc>, window_params = [{transform_indices = @transform_0, window_bounds = array<i64: 1, 8, 704>}, {transform_indices = @transform_1, window_bounds = array<i64: 1, 8, 704>}, {transform_indices = @transform_2, window_bounds = array<i64: 1, 8, 704>}, {transform_indices = @transform_3, window_bounds = array<i64: 1, 8, 704>}, {transform_indices = @transform_4, window_bounds = array<i64: 1, 8, 704>}, {transform_indices = @transform_5, window_bounds = array<i64: 1, 8, 704>}, {transform_indices = @transform_6, window_bounds = array<i64: 1, 208, 128>}]} {
    %get3A = arith.constant 0 : index
    %get3A_0 = arith.constant 0 : index
    %get3A_1 = arith.constant 0 : index
    %get3A_2 = vector.load %arg1[%get3A, %get3A_0, %get3A_1] : memref<1x8x704xf32, #tpu.memory_space<vmem>>, vector<1x8x704xf32>
    %get3A_3 = vector.shape_cast %get3A_2 : vector<1x8x704xf32> to vector<8x704xf32>
    %get3A_4 = arith.constant 0 : index
    %get3A_5 = arith.constant 0 : index
    %get3A_6 = arith.constant 0 : index
    %get3A_7 = vector.load %arg2[%get3A_4, %get3A_5, %get3A_6] : memref<1x8x704xf32, #tpu.memory_space<vmem>>, vector<1x8x704xf32>
    %get3A_8 = vector.shape_cast %get3A_7 : vector<1x8x704xf32> to vector<8x704xf32>
    %get3A_9 = arith.constant 0 : index
    %get3A_10 = arith.constant 0 : index
    %get3A_11 = arith.constant 0 : index
    %get3A_12 = vector.load %arg3[%get3A_9, %get3A_10, %get3A_11] : memref<1x8x704xf32, #tpu.memory_space<vmem>>, vector<1x8x704xf32>
    %get3A_13 = vector.shape_cast %get3A_12 : vector<1x8x704xf32> to vector<8x704xf32>
    %get3A_14 = arith.constant 0 : index
    %get3A_15 = arith.constant 0 : index
    %get3A_16 = arith.constant 0 : index
    %get3A_17 = vector.load %arg4[%get3A_14, %get3A_15, %get3A_16] : memref<1x8x704xf32, #tpu.memory_space<vmem>>, vector<1x8x704xf32>
    %get3A_18 = vector.shape_cast %get3A_17 : vector<1x8x704xf32> to vector<8x704xf32>
    %get3A_19 = arith.constant 0 : index
    %get3A_20 = arith.constant 0 : index
    %get3A_21 = arith.constant 0 : index
    %get3A_22 = vector.load %arg5[%get3A_19, %get3A_20, %get3A_21] : memref<1x8x704xf32, #tpu.memory_space<vmem>>, vector<1x8x704xf32>
    %get3A_23 = vector.shape_cast %get3A_22 : vector<1x8x704xf32> to vector<8x704xf32>
    %get3A_24 = arith.constant 0 : index
    %get3A_25 = arith.constant 0 : index
    %get3A_26 = arith.constant 0 : index
    %get3A_27 = vector.load %arg6[%get3A_24, %get3A_25, %get3A_26] : memref<1x8x704xf32, #tpu.memory_space<vmem>>, vector<1x8x704xf32>
    %get3A_28 = vector.shape_cast %get3A_27 : vector<1x8x704xf32> to vector<8x704xf32>
    %gt3A = arith.constant 2.000000e-02 : f32
    %gt3A_29 = vector.broadcast %gt3A : f32 to vector<8x704xf32>
    %gt3A_30 = arith.cmpf ogt, %get3A_28, %gt3A_29 : vector<8x704xf32>
    %jit3A = arith.constant 0xFF800000 : f32
    %broadcast_in_dim3A = vector.broadcast %jit3A : f32 to vector<8x704xf32>
    %select_n3A = arith.select %gt3A_30, %get3A_3, %broadcast_in_dim3A : vector<8x704xi1>, vector<8x704xf32>
    %reduce_max3A = vector.shape_cast %select_n3A : vector<8x704xf32> to vector<1x8x704xf32>
    %reduce_max3A_31 = arith.constant dense<0xFF800000> : vector<1xf32>
    %reduce_max3A_32 = vector.multi_reduction <maximumf>, %reduce_max3A, %reduce_max3A_31 [1, 2] : vector<1x8x704xf32> to vector<1xf32>
    %reduce_max3A_33 = vector.shape_cast %reduce_max3A_32 : vector<1xf32> to vector<1x1x1xf32>
    %reduce_max3A_34 = vector.extract %reduce_max3A_33[0, 0, 0] : f32 from vector<1x1x1xf32>
    %jit3A_35 = arith.constant 0xFF800000 : f32
    %broadcast_in_dim3A_36 = vector.broadcast %jit3A_35 : f32 to vector<8x704xf32>
    %select_n3A_37 = arith.select %gt3A_30, %get3A_8, %broadcast_in_dim3A_36 : vector<8x704xi1>, vector<8x704xf32>
    %reduce_max3A_38 = vector.shape_cast %select_n3A_37 : vector<8x704xf32> to vector<1x8x704xf32>
    %reduce_max3A_39 = arith.constant dense<0xFF800000> : vector<1xf32>
    %reduce_max3A_40 = vector.multi_reduction <maximumf>, %reduce_max3A_38, %reduce_max3A_39 [1, 2] : vector<1x8x704xf32> to vector<1xf32>
    %reduce_max3A_41 = vector.shape_cast %reduce_max3A_40 : vector<1xf32> to vector<1x1x1xf32>
    %reduce_max3A_42 = vector.extract %reduce_max3A_41[0, 0, 0] : f32 from vector<1x1x1xf32>
    %jit3A_43 = arith.constant 0xFF800000 : f32
    %broadcast_in_dim3A_44 = vector.broadcast %jit3A_43 : f32 to vector<8x704xf32>
    %select_n3A_45 = arith.select %gt3A_30, %get3A_13, %broadcast_in_dim3A_44 : vector<8x704xi1>, vector<8x704xf32>
    %reduce_max3A_46 = vector.shape_cast %select_n3A_45 : vector<8x704xf32> to vector<1x8x704xf32>
    %reduce_max3A_47 = arith.constant dense<0xFF800000> : vector<1xf32>
    %reduce_max3A_48 = vector.multi_reduction <maximumf>, %reduce_max3A_46, %reduce_max3A_47 [1, 2] : vector<1x8x704xf32> to vector<1xf32>
    %reduce_max3A_49 = vector.shape_cast %reduce_max3A_48 : vector<1xf32> to vector<1x1x1xf32>
    %reduce_max3A_50 = vector.extract %reduce_max3A_49[0, 0, 0] : f32 from vector<1x1x1xf32>
    %jit3A_51 = arith.constant 0xFF800000 : f32
    %broadcast_in_dim3A_52 = vector.broadcast %jit3A_51 : f32 to vector<8x704xf32>
    %select_n3A_53 = arith.select %gt3A_30, %get3A_18, %broadcast_in_dim3A_52 : vector<8x704xi1>, vector<8x704xf32>
    %reduce_max3A_54 = vector.shape_cast %select_n3A_53 : vector<8x704xf32> to vector<1x8x704xf32>
    %reduce_max3A_55 = arith.constant dense<0xFF800000> : vector<1xf32>
    %reduce_max3A_56 = vector.multi_reduction <maximumf>, %reduce_max3A_54, %reduce_max3A_55 [1, 2] : vector<1x8x704xf32> to vector<1xf32>
    %reduce_max3A_57 = vector.shape_cast %reduce_max3A_56 : vector<1xf32> to vector<1x1x1xf32>
    %reduce_max3A_58 = vector.extract %reduce_max3A_57[0, 0, 0] : f32 from vector<1x1x1xf32>
    %max3A = arith.maximumf %reduce_max3A_50, %reduce_max3A_58 : f32
    %max3A_59 = arith.maximumf %reduce_max3A_42, %max3A : f32
    %max3A_60 = arith.maximumf %reduce_max3A_34, %max3A_59 : f32
    %reduce_or3A = arith.constant 1.000000e+00 : f32
    %reduce_or3A_61 = arith.constant 0.000000e+00 : f32
    %reduce_or3A_62 = vector.broadcast %reduce_or3A : f32 to vector<8x704xf32>
    %reduce_or3A_63 = vector.broadcast %reduce_or3A_61 : f32 to vector<8x704xf32>
    %reduce_or3A_64 = arith.select %gt3A_30, %reduce_or3A_62, %reduce_or3A_63 : vector<8x704xi1>, vector<8x704xf32>
    %reduce_or3A_65 = vector.shape_cast %reduce_or3A_64 : vector<8x704xf32> to vector<1x8x704xf32>
    %reduce_or3A_66 = arith.constant dense<0xFF800000> : vector<1xf32>
    %reduce_or3A_67 = vector.multi_reduction <maximumf>, %reduce_or3A_65, %reduce_or3A_66 [1, 2] : vector<1x8x704xf32> to vector<1xf32>
    %reduce_or3A_68 = vector.shape_cast %reduce_or3A_67 : vector<1xf32> to vector<1x1x1xf32>
    %reduce_or3A_69 = vector.extract %reduce_or3A_68[0, 0, 0] : f32 from vector<1x1x1xf32>
    %reduce_or3A_70 = arith.constant 0.000000e+00 : f32
    %reduce_or3A_71 = arith.cmpf ogt, %reduce_or3A_69, %reduce_or3A_70 : f32
    %jit3A_72 = arith.constant 0.000000e+00 : f32
    %select_n3A_73 = arith.select %reduce_or3A_71, %max3A_60, %jit3A_72 : f32
    %add3A = arith.constant 1.000000e+00 : f32
    %add3A_74 = arith.addf %select_n3A_73, %add3A : f32
    %mul3A = vector.broadcast %add3A_74 : f32 to vector<8x704xf32>
    %mul3A_75 = arith.mulf %get3A_23, %mul3A : vector<8x704xf32>
    %add3A_76 = arith.addf %get3A_3, %mul3A_75 : vector<8x704xf32>
    %swap3A = arith.constant 0 : index
    %swap3A_77 = arith.constant 0 : index
    %swap3A_78 = vector.load %arg8[%swap3A, %swap3A_77] : memref<8x704xf32, #tpu.memory_space<vmem>>, vector<8x704xf32>
    tpu.vector_store %arg8[%swap3A, %swap3A_77], %add3A_76 {strides = array<i32>} : memref<8x704xf32, #tpu.memory_space<vmem>>, vector<8x704xf32>,
    %mul3A_79 = vector.broadcast %add3A_74 : f32 to vector<8x704xf32>
    %mul3A_80 = arith.mulf %get3A_23, %mul3A_79 : vector<8x704xf32>
    %add3A_81 = arith.addf %get3A_8, %mul3A_80 : vector<8x704xf32>
    %swap3A_82 = arith.constant 0 : index
    %swap3A_83 = arith.constant 0 : index
    %swap3A_84 = vector.load %arg9[%swap3A_82, %swap3A_83] : memref<8x704xf32, #tpu.memory_space<vmem>>, vector<8x704xf32>
    tpu.vector_store %arg9[%swap3A_82, %swap3A_83], %add3A_81 {strides = array<i32>} : memref<8x704xf32, #tpu.memory_space<vmem>>, vector<8x704xf32>,
    %mul3A_85 = vector.broadcast %add3A_74 : f32 to vector<8x704xf32>
    %mul3A_86 = arith.mulf %get3A_23, %mul3A_85 : vector<8x704xf32>
    %add3A_87 = arith.addf %get3A_13, %mul3A_86 : vector<8x704xf32>
    %swap3A_88 = arith.constant 0 : index
    %swap3A_89 = arith.constant 0 : index
    %swap3A_90 = vector.load %arg10[%swap3A_88, %swap3A_89] : memref<8x704xf32, #tpu.memory_space<vmem>>, vector<8x704xf32>
    tpu.vector_store %arg10[%swap3A_88, %swap3A_89], %add3A_87 {strides = array<i32>} : memref<8x704xf32, #tpu.memory_space<vmem>>, vector<8x704xf32>,
    %mul3A_91 = vector.broadcast %add3A_74 : f32 to vector<8x704xf32>
    %mul3A_92 = arith.mulf %get3A_23, %mul3A_91 : vector<8x704xf32>
    %add3A_93 = arith.addf %get3A_18, %mul3A_92 : vector<8x704xf32>
    %swap3A_94 = arith.constant 0 : index
    %swap3A_95 = arith.constant 0 : index
    %swap3A_96 = vector.load %arg11[%swap3A_94, %swap3A_95] : memref<8x704xf32, #tpu.memory_space<vmem>>, vector<8x704xf32>
    tpu.vector_store %arg11[%swap3A_94, %swap3A_95], %add3A_93 {strides = array<i32>} : memref<8x704xf32, #tpu.memory_space<vmem>>, vector<8x704xf32>,
    %sub3A = arith.subf %get3A_13, %get3A_3 : vector<8x704xf32>
    %sub3A_97 = arith.subf %get3A_18, %get3A_8 : vector<8x704xf32>
    %mul3A_98 = arith.mulf %sub3A, %sub3A_97 : vector<8x704xf32>
    %swap3A_99 = arith.constant 0 : index
    %swap3A_100 = arith.constant 0 : index
    %swap3A_101 = vector.load %arg12[%swap3A_99, %swap3A_100] : memref<8x704xf32, #tpu.memory_space<vmem>>, vector<8x704xf32>
    tpu.vector_store %arg12[%swap3A_99, %swap3A_100], %mul3A_98 {strides = array<i32>} : memref<8x704xf32, #tpu.memory_space<vmem>>, vector<8x704xf32>,
    %broadcast_in_dim3A_102 = arith.constant 0.000000e+00 : f32
    %broadcast_in_dim3A_103 = vector.broadcast %broadcast_in_dim3A_102 : f32 to vector<8x704xf32>
    %swap3A_104 = arith.constant 0 : index
    %swap3A_105 = arith.constant 0 : index
    %swap3A_106 = vector.load %arg13[%swap3A_104, %swap3A_105] : memref<8x704xf32, #tpu.memory_space<vmem>>, vector<8x704xf32>
    tpu.vector_store %arg13[%swap3A_104, %swap3A_105], %broadcast_in_dim3A_103 {strides = array<i32>} : memref<8x704xf32, #tpu.memory_space<vmem>>, vector<8x704xf32>,
    %iota3A = tpu.iota {dimensions = array<i32: 0>} : vector<8x704xi32>
    %iota3A_107 = tpu.iota {dimensions = array<i32: 1>} : vector<8x704xi32>
    %mul3A_108 = arith.constant 704 : i32
    %mul3A_109 = vector.broadcast %mul3A_108 : i32 to vector<8x704xi32>
    %mul3A_110 = arith.muli %iota3A, %mul3A_109 : vector<8x704xi32>
    %add3A_111 = arith.addi %mul3A_110, %iota3A_107 : vector<8x704xi32>
    %iota3A_112 = tpu.iota {dimensions = array<i32: 1>} : vector<208x128xi32>
    %iota3A_113 = tpu.iota {dimensions = array<i32: 0>} : vector<208x128xi32>
    %eq3A = arith.constant 5 : i32
    %eq3A_114 = vector.broadcast %eq3A : i32 to vector<208x128xi32>
    %eq3A_115 = arith.cmpi eq, %iota3A_112, %eq3A_114 : vector<208x128xi32>
    %jit3A_116 = arith.constant -1.000000e+00 : f32
    %jit3A_117 = arith.constant 0.000000e+00 : f32
    %broadcast_in_dim3A_118 = vector.broadcast %jit3A_116 : f32 to vector<208x128xf32>
    %broadcast_in_dim3A_119 = vector.broadcast %jit3A_117 : f32 to vector<208x128xf32>
    %select_n3A_120 = arith.select %eq3A_115, %broadcast_in_dim3A_118, %broadcast_in_dim3A_119 : vector<208x128xi1>, vector<208x128xf32>
    %swap3A_121 = arith.constant 0 : index
    %swap3A_122 = arith.constant 0 : index
    %swap3A_123 = arith.constant 0 : index
    %swap3A_124 = vector.load %arg7[%swap3A_121, %swap3A_122, %swap3A_123] : memref<1x208x128xf32, #tpu.memory_space<vmem>>, vector<1x208x128xf32>
    %swap3A_125 = vector.shape_cast %swap3A_124 : vector<1x208x128xf32> to vector<208x128xf32>
    %swap3A_126 = vector.shape_cast %select_n3A_120 : vector<208x128xf32> to vector<1x208x128xf32>
    tpu.vector_store %arg7[%swap3A_121, %swap3A_122, %swap3A_123], %swap3A_126 {strides = array<i32>} : memref<1x208x128xf32, #tpu.memory_space<vmem>>, vector<1x208x128xf32>,
    %while3A = arith.constant 0.000000e+00 : f32
    %while3A_127 = arith.constant 0 : i32
    %while3A_128 = arith.constant 0 : i32
    %while3A_129:2 = scf.while (%while3A_130 = %while3A_127, %while3A_131 = %while3A_128) : (i32, i32) -> (i32, i32) {
      %lt3A = arith.constant 5480 : i32
      %lt3A_132 = arith.cmpi slt, %while3A_130, %lt3A : i32
      %lt3A_133 = arith.constant 200 : i32
      %lt3A_134 = arith.cmpi slt, %while3A_131, %lt3A_133 : i32
      %and3A = arith.andi %lt3A_132, %lt3A_134 : i1
      scf.condition(%and3A) %while3A_130, %while3A_131 : i32, i32
    } do {
    ^bb0(%while3A_130: i32, %while3A_131: i32):
      %eq3A_132 = vector.broadcast %while3A_130 : i32 to vector<8x704xi32>
      %eq3A_133 = arith.cmpi eq, %add3A_111, %eq3A_132 : vector<8x704xi32>
      %broadcast_in_dim3A_134 = vector.broadcast %while3A : f32 to vector<8x704xf32>
      %select_n3A_135 = arith.select %eq3A_133, %get3A_28, %broadcast_in_dim3A_134 : vector<8x704xi1>, vector<8x704xf32>
      %reduce_sum3A = vector.shape_cast %select_n3A_135 : vector<8x704xf32> to vector<1x8x704xf32>
      %reduce_sum3A_136 = arith.constant dense<0.000000e+00> : vector<1xf32>
      %reduce_sum3A_137 = vector.multi_reduction <add>, %reduce_sum3A, %reduce_sum3A_136 [1, 2] : vector<1x8x704xf32> to vector<1xf32>
      %reduce_sum3A_138 = vector.shape_cast %reduce_sum3A_137 : vector<1xf32> to vector<1x1x1xf32>
      %reduce_sum3A_139 = vector.extract %reduce_sum3A_138[0, 0, 0] : f32 from vector<1x1x1xf32>
      %gt3A_140 = arith.constant 2.000000e-02 : f32
      %gt3A_141 = arith.cmpf ogt, %reduce_sum3A_139, %gt3A_140 : f32
      %get3A_142 = arith.constant 0 : index
      %get3A_143 = arith.constant 0 : index
      %get3A_144 = vector.load %arg13[%get3A_142, %get3A_143] : memref<8x704xf32, #tpu.memory_space<vmem>>, vector<8x704xf32>
      %broadcast_in_dim3A_145 = vector.broadcast %while3A : f32 to vector<8x704xf32>
      %select_n3A_146 = arith.select %eq3A_133, %get3A_144, %broadcast_in_dim3A_145 : vector<8x704xi1>, vector<8x704xf32>
      %reduce_sum3A_147 = vector.shape_cast %select_n3A_146 : vector<8x704xf32> to vector<1x8x704xf32>
      %reduce_sum3A_148 = arith.constant dense<0.000000e+00> : vector<1xf32>
      %reduce_sum3A_149 = vector.multi_reduction <add>, %reduce_sum3A_147, %reduce_sum3A_148 [1, 2] : vector<1x8x704xf32> to vector<1xf32>
      %reduce_sum3A_150 = vector.shape_cast %reduce_sum3A_149 : vector<1xf32> to vector<1x1x1xf32>
      %reduce_sum3A_151 = vector.extract %reduce_sum3A_150[0, 0, 0] : f32 from vector<1x1x1xf32>
      %eq3A_152 = arith.constant 0.000000e+00 : f32
      %eq3A_153 = arith.cmpf oeq, %reduce_sum3A_151, %eq3A_152 : f32
      %and3A = arith.andi %gt3A_141, %eq3A_153 : i1
      %broadcast_in_dim3A_154 = vector.broadcast %while3A : f32 to vector<8x704xf32>
      %select_n3A_155 = arith.select %eq3A_133, %get3A_3, %broadcast_in_dim3A_154 : vector<8x704xi1>, vector<8x704xf32>
      %reduce_sum3A_156 = vector.shape_cast %select_n3A_155 : vector<8x704xf32> to vector<1x8x704xf32>
      %reduce_sum3A_157 = arith.constant dense<0.000000e+00> : vector<1xf32>
      %reduce_sum3A_158 = vector.multi_reduction <add>, %reduce_sum3A_156, %reduce_sum3A_157 [1, 2] : vector<1x8x704xf32> to vector<1xf32>
      %reduce_sum3A_159 = vector.shape_cast %reduce_sum3A_158 : vector<1xf32> to vector<1x1x1xf32>
      %reduce_sum3A_160 = vector.extract %reduce_sum3A_159[0, 0, 0] : f32 from vector<1x1x1xf32>
      %broadcast_in_dim3A_161 = vector.broadcast %while3A : f32 to vector<8x704xf32>
      %select_n3A_162 = arith.select %eq3A_133, %get3A_8, %broadcast_in_dim3A_161 : vector<8x704xi1>, vector<8x704xf32>
      %reduce_sum3A_163 = vector.shape_cast %select_n3A_162 : vector<8x704xf32> to vector<1x8x704xf32>
      %reduce_sum3A_164 = arith.constant dense<0.000000e+00> : vector<1xf32>
      %reduce_sum3A_165 = vector.multi_reduction <add>, %reduce_sum3A_163, %reduce_sum3A_164 [1, 2] : vector<1x8x704xf32> to vector<1xf32>
      %reduce_sum3A_166 = vector.shape_cast %reduce_sum3A_165 : vector<1xf32> to vector<1x1x1xf32>
      %reduce_sum3A_167 = vector.extract %reduce_sum3A_166[0, 0, 0] : f32 from vector<1x1x1xf32>
      %broadcast_in_dim3A_168 = vector.broadcast %while3A : f32 to vector<8x704xf32>
      %select_n3A_169 = arith.select %eq3A_133, %get3A_13, %broadcast_in_dim3A_168 : vector<8x704xi1>, vector<8x704xf32>
      %reduce_sum3A_170 = vector.shape_cast %select_n3A_169 : vector<8x704xf32> to vector<1x8x704xf32>
      %reduce_sum3A_171 = arith.constant dense<0.000000e+00> : vector<1xf32>
      %reduce_sum3A_172 = vector.multi_reduction <add>, %reduce_sum3A_170, %reduce_sum3A_171 [1, 2] : vector<1x8x704xf32> to vector<1xf32>
      %reduce_sum3A_173 = vector.shape_cast %reduce_sum3A_172 : vector<1xf32> to vector<1x1x1xf32>
      %reduce_sum3A_174 = vector.extract %reduce_sum3A_173[0, 0, 0] : f32 from vector<1x1x1xf32>
      %broadcast_in_dim3A_175 = vector.broadcast %while3A : f32 to vector<8x704xf32>
      %select_n3A_176 = arith.select %eq3A_133, %get3A_18, %broadcast_in_dim3A_175 : vector<8x704xi1>, vector<8x704xf32>
      %reduce_sum3A_177 = vector.shape_cast %select_n3A_176 : vector<8x704xf32> to vector<1x8x704xf32>
      %reduce_sum3A_178 = arith.constant dense<0.000000e+00> : vector<1xf32>
      %reduce_sum3A_179 = vector.multi_reduction <add>, %reduce_sum3A_177, %reduce_sum3A_178 [1, 2] : vector<1x8x704xf32> to vector<1xf32>
      %reduce_sum3A_180 = vector.shape_cast %reduce_sum3A_179 : vector<1xf32> to vector<1x1x1xf32>
      %reduce_sum3A_181 = vector.extract %reduce_sum3A_180[0, 0, 0] : f32 from vector<1x1x1xf32>
      %broadcast_in_dim3A_182 = vector.broadcast %while3A : f32 to vector<8x704xf32>
      %select_n3A_183 = arith.select %eq3A_133, %get3A_23, %broadcast_in_dim3A_182 : vector<8x704xi1>, vector<8x704xf32>
      %reduce_sum3A_184 = vector.shape_cast %select_n3A_183 : vector<8x704xf32> to vector<1x8x704xf32>
      %reduce_sum3A_185 = arith.constant dense<0.000000e+00> : vector<1xf32>
      %reduce_sum3A_186 = vector.multi_reduction <add>, %reduce_sum3A_184, %reduce_sum3A_185 [1, 2] : vector<1x8x704xf32> to vector<1xf32>
      %reduce_sum3A_187 = vector.shape_cast %reduce_sum3A_186 : vector<1xf32> to vector<1x1x1xf32>
      %reduce_sum3A_188 = vector.extract %reduce_sum3A_187[0, 0, 0] : f32 from vector<1x1x1xf32>
      %mul3A_189 = arith.mulf %reduce_sum3A_188, %add3A_74 : f32
      %add3A_190 = arith.addf %reduce_sum3A_160, %mul3A_189 : f32
      %add3A_191 = arith.addf %reduce_sum3A_167, %mul3A_189 : f32
      %add3A_192 = arith.addf %reduce_sum3A_174, %mul3A_189 : f32
      %add3A_193 = arith.addf %reduce_sum3A_181, %mul3A_189 : f32
      %get3A_194 = arith.constant 0 : index
      %get3A_195 = arith.constant 0 : index
      %get3A_196 = vector.load %arg8[%get3A_194, %get3A_195] : memref<8x704xf32, #tpu.memory_space<vmem>>, vector<8x704xf32>
      %max3A_197 = vector.broadcast %add3A_190 : f32 to vector<8x704xf32>
      %max3A_198 = arith.maximumf %max3A_197, %get3A_196 : vector<8x704xf32>
      %get3A_199 = arith.constant 0 : index
      %get3A_200 = arith.constant 0 : index
      %get3A_201 = vector.load %arg9[%get3A_199, %get3A_200] : memref<8x704xf32, #tpu.memory_space<vmem>>, vector<8x704xf32>
      %max3A_202 = vector.broadcast %add3A_191 : f32 to vector<8x704xf32>
      %max3A_203 = arith.maximumf %max3A_202, %get3A_201 : vector<8x704xf32>
      %get3A_204 = arith.constant 0 : index
      %get3A_205 = arith.constant 0 : index
      %get3A_206 = vector.load %arg10[%get3A_204, %get3A_205] : memref<8x704xf32, #tpu.memory_space<vmem>>, vector<8x704xf32>
      %min3A = vector.broadcast %add3A_192 : f32 to vector<8x704xf32>
      %min3A_207 = arith.minimumf %min3A, %get3A_206 : vector<8x704xf32>
      %get3A_208 = arith.constant 0 : index
      %get3A_209 = arith.constant 0 : index
      %get3A_210 = vector.load %arg11[%get3A_208, %get3A_209] : memref<8x704xf32, #tpu.memory_space<vmem>>, vector<8x704xf32>
      %min3A_211 = vector.broadcast %add3A_193 : f32 to vector<8x704xf32>
      %min3A_212 = arith.minimumf %min3A_211, %get3A_210 : vector<8x704xf32>
      %sub3A_213 = arith.subf %min3A_207, %max3A_198 : vector<8x704xf32>
      %max3A_214 = arith.constant 0.000000e+00 : f32
      %max3A_215 = vector.broadcast %max3A_214 : f32 to vector<8x704xf32>
      %max3A_216 = arith.maximumf %max3A_215, %sub3A_213 : vector<8x704xf32>
      %sub3A_217 = arith.subf %min3A_212, %max3A_203 : vector<8x704xf32>
      %max3A_218 = arith.constant 0.000000e+00 : f32
      %max3A_219 = vector.broadcast %max3A_218 : f32 to vector<8x704xf32>
      %max3A_220 = arith.maximumf %max3A_219, %sub3A_217 : vector<8x704xf32>
      %mul3A_221 = arith.mulf %max3A_216, %max3A_220 : vector<8x704xf32>
      %sub3A_222 = arith.subf %add3A_192, %add3A_190 : f32
      %sub3A_223 = arith.subf %add3A_193, %add3A_191 : f32
      %mul3A_224 = arith.mulf %sub3A_222, %sub3A_223 : f32
      %get3A_225 = arith.constant 0 : index
      %get3A_226 = arith.constant 0 : index
      %get3A_227 = vector.load %arg12[%get3A_225, %get3A_226] : memref<8x704xf32, #tpu.memory_space<vmem>>, vector<8x704xf32>
      %add3A_228 = vector.broadcast %mul3A_224 : f32 to vector<8x704xf32>
      %add3A_229 = arith.addf %add3A_228, %get3A_227 : vector<8x704xf32>
      %sub3A_230 = arith.subf %add3A_229, %mul3A_221 : vector<8x704xf32>
      %add3A_231 = arith.constant 9.99999996E-13 : f32
      %add3A_232 = vector.broadcast %add3A_231 : f32 to vector<8x704xf32>
      %add3A_233 = arith.addf %sub3A_230, %add3A_232 : vector<8x704xf32>
      %div3A = arith.divf %mul3A_221, %add3A_233 : vector<8x704xf32>
      %gt3A_234 = arith.constant 4.500000e-01 : f32
      %gt3A_235 = vector.broadcast %gt3A_234 : f32 to vector<8x704xf32>
      %gt3A_236 = arith.cmpf ogt, %div3A, %gt3A_235 : vector<8x704xf32>
      %and3A_237 = vector.broadcast %and3A : i1 to vector<8x704xi1>
      %and3A_238 = arith.andi %and3A_237, %gt3A_236 : vector<8x704xi1>
      %gt3A_239 = vector.broadcast %while3A_130 : i32 to vector<8x704xi32>
      %gt3A_240 = arith.cmpi sgt, %add3A_111, %gt3A_239 : vector<8x704xi32>
      %and3A_241 = arith.andi %and3A_238, %gt3A_240 : vector<8x704xi1>
      %get3A_242 = arith.constant 0 : index
      %get3A_243 = arith.constant 0 : index
      %get3A_244 = vector.load %arg13[%get3A_242, %get3A_243] : memref<8x704xf32, #tpu.memory_space<vmem>>, vector<8x704xf32>
      %jit3A_245 = arith.constant 1.000000e+00 : f32
      %broadcast_in_dim3A_246 = vector.broadcast %jit3A_245 : f32 to vector<8x704xf32>
      %select_n3A_247 = arith.select %and3A_241, %broadcast_in_dim3A_246, %get3A_244 : vector<8x704xi1>, vector<8x704xf32>
      %swap3A_248 = arith.constant 0 : index
      %swap3A_249 = arith.constant 0 : index
      %swap3A_250 = vector.load %arg13[%swap3A_248, %swap3A_249] : memref<8x704xf32, #tpu.memory_space<vmem>>, vector<8x704xf32>
      tpu.vector_store %arg13[%swap3A_248, %swap3A_249], %select_n3A_247 {strides = array<i32>} : memref<8x704xf32, #tpu.memory_space<vmem>>, vector<8x704xf32>,
      %convert_element_type3A = arith.extui %and3A : i1 to i32
      %cond3A = arith.constant 0 : i32
      %cond3A_251 = arith.cmpi ne, %convert_element_type3A, %cond3A : i32
      scf.if %cond3A_251 {
        %eq3A_260 = arith.constant 0 : i32
        %eq3A_261 = vector.broadcast %eq3A_260 : i32 to vector<208x128xi32>
        %eq3A_262 = arith.cmpi eq, %iota3A_112, %eq3A_261 : vector<208x128xi32>
        %eq3A_263 = arith.constant 1 : i32
        %eq3A_264 = vector.broadcast %eq3A_263 : i32 to vector<208x128xi32>
        %eq3A_265 = arith.cmpi eq, %iota3A_112, %eq3A_264 : vector<208x128xi32>
        %eq3A_266 = arith.constant 2 : i32
        %eq3A_267 = vector.broadcast %eq3A_266 : i32 to vector<208x128xi32>
        %eq3A_268 = arith.cmpi eq, %iota3A_112, %eq3A_267 : vector<208x128xi32>
        %eq3A_269 = arith.constant 3 : i32
        %eq3A_270 = vector.broadcast %eq3A_269 : i32 to vector<208x128xi32>
        %eq3A_271 = arith.cmpi eq, %iota3A_112, %eq3A_270 : vector<208x128xi32>
        %eq3A_272 = arith.constant 4 : i32
        %eq3A_273 = vector.broadcast %eq3A_272 : i32 to vector<208x128xi32>
        %eq3A_274 = arith.cmpi eq, %iota3A_112, %eq3A_273 : vector<208x128xi32>
        %eq3A_275 = arith.constant 5 : i32
        %eq3A_276 = vector.broadcast %eq3A_275 : i32 to vector<208x128xi32>
        %eq3A_277 = arith.cmpi eq, %iota3A_112, %eq3A_276 : vector<208x128xi32>
        %broadcast_in_dim3A_278 = vector.broadcast %reduce_sum3A_188 : f32 to vector<208x128xf32>
        %broadcast_in_dim3A_279 = vector.broadcast %while3A : f32 to vector<208x128xf32>
        %select_n3A_280 = arith.select %eq3A_277, %broadcast_in_dim3A_278, %broadcast_in_dim3A_279 : vector<208x128xi1>, vector<208x128xf32>
        %broadcast_in_dim3A_281 = vector.broadcast %reduce_sum3A_139 : f32 to vector<208x128xf32>
        %select_n3A_282 = arith.select %eq3A_274, %broadcast_in_dim3A_281, %select_n3A_280 : vector<208x128xi1>, vector<208x128xf32>
        %broadcast_in_dim3A_283 = vector.broadcast %reduce_sum3A_181 : f32 to vector<208x128xf32>
        %select_n3A_284 = arith.select %eq3A_271, %broadcast_in_dim3A_283, %select_n3A_282 : vector<208x128xi1>, vector<208x128xf32>
        %broadcast_in_dim3A_285 = vector.broadcast %reduce_sum3A_174 : f32 to vector<208x128xf32>
        %select_n3A_286 = arith.select %eq3A_268, %broadcast_in_dim3A_285, %select_n3A_284 : vector<208x128xi1>, vector<208x128xf32>
        %broadcast_in_dim3A_287 = vector.broadcast %reduce_sum3A_167 : f32 to vector<208x128xf32>
        %select_n3A_288 = arith.select %eq3A_265, %broadcast_in_dim3A_287, %select_n3A_286 : vector<208x128xi1>, vector<208x128xf32>
        %broadcast_in_dim3A_289 = vector.broadcast %reduce_sum3A_160 : f32 to vector<208x128xf32>
        %select_n3A_290 = arith.select %eq3A_262, %broadcast_in_dim3A_289, %select_n3A_288 : vector<208x128xi1>, vector<208x128xf32>
        %eq3A_291 = vector.broadcast %while3A_131 : i32 to vector<208x128xi32>
        %eq3A_292 = arith.cmpi eq, %iota3A_113, %eq3A_291 : vector<208x128xi32>
        %get3A_293 = arith.constant 0 : index
        %get3A_294 = arith.constant 0 : index
        %get3A_295 = arith.constant 0 : index
        %get3A_296 = vector.load %arg7[%get3A_293, %get3A_294, %get3A_295] : memref<1x208x128xf32, #tpu.memory_space<vmem>>, vector<1x208x128xf32>
        %get3A_297 = vector.shape_cast %get3A_296 : vector<1x208x128xf32> to vector<208x128xf32>
        %select_n3A_298 = arith.select %eq3A_292, %select_n3A_290, %get3A_297 : vector<208x128xi1>, vector<208x128xf32>
        %swap3A_299 = arith.constant 0 : index
        %swap3A_300 = arith.constant 0 : index
        %swap3A_301 = arith.constant 0 : index
        %swap3A_302 = vector.load %arg7[%swap3A_299, %swap3A_300, %swap3A_301] : memref<1x208x128xf32, #tpu.memory_space<vmem>>, vector<1x208x128xf32>
        %swap3A_303 = vector.shape_cast %swap3A_302 : vector<1x208x128xf32> to vector<208x128xf32>
        %swap3A_304 = vector.shape_cast %select_n3A_298 : vector<208x128xf32> to vector<1x208x128xf32>
        tpu.vector_store %arg7[%swap3A_299, %swap3A_300, %swap3A_301], %swap3A_304 {strides = array<i32>} : memref<1x208x128xf32, #tpu.memory_space<vmem>>, vector<1x208x128xf32>,
      } else {
      }
      %add3A_252 = arith.constant 1 : i32
      %add3A_253 = arith.addi %while3A_130, %add3A_252 : i32
      %jit3A_254 = arith.constant 5480 : i32
      %select_n3A_255 = arith.select %gt3A_141, %add3A_253, %jit3A_254 : i32
      %jit3A_256 = arith.constant 1 : i32
      %jit3A_257 = arith.constant 0 : i32
      %select_n3A_258 = arith.select %and3A, %jit3A_256, %jit3A_257 : i32
      %add3A_259 = arith.addi %while3A_131, %select_n3A_258 : i32
      scf.yield %select_n3A_255, %add3A_259 : i32, i32
    }
    return
  }
  func.func @transform_0(%arg0: i32) -> (i32, i32, i32) {
    %c0_i32 = arith.constant 0 : i32
    %c0_i32_0 = arith.constant 0 : i32
    %c0_i32_1 = arith.constant 0 : i32
    return %arg0, %c0_i32, %c0_i32_0 : i32, i32, i32
  }
  func.func @transform_1(%arg0: i32) -> (i32, i32, i32) {
    %c0_i32 = arith.constant 0 : i32
    %c0_i32_0 = arith.constant 0 : i32
    %c0_i32_1 = arith.constant 0 : i32
    return %arg0, %c0_i32, %c0_i32_0 : i32, i32, i32
  }
  func.func @transform_2(%arg0: i32) -> (i32, i32, i32) {
    %c0_i32 = arith.constant 0 : i32
    %c0_i32_0 = arith.constant 0 : i32
    %c0_i32_1 = arith.constant 0 : i32
    return %arg0, %c0_i32, %c0_i32_0 : i32, i32, i32
  }
  func.func @transform_3(%arg0: i32) -> (i32, i32, i32) {
    %c0_i32 = arith.constant 0 : i32
    %c0_i32_0 = arith.constant 0 : i32
    %c0_i32_1 = arith.constant 0 : i32
    return %arg0, %c0_i32, %c0_i32_0 : i32, i32, i32
  }
  func.func @transform_4(%arg0: i32) -> (i32, i32, i32) {
    %c0_i32 = arith.constant 0 : i32
    %c0_i32_0 = arith.constant 0 : i32
    %c0_i32_1 = arith.constant 0 : i32
    return %arg0, %c0_i32, %c0_i32_0 : i32, i32, i32
  }
  func.func @transform_5(%arg0: i32) -> (i32, i32, i32) {
    %c0_i32 = arith.constant 0 : i32
    %c0_i32_0 = arith.constant 0 : i32
    %c0_i32_1 = arith.constant 0 : i32
    return %arg0, %c0_i32, %c0_i32_0 : i32, i32, i32
  }
  func.func @transform_6(%arg0: i32) -> (i32, i32, i32) {
    %c0_i32 = arith.constant 0 : i32
    %c0_i32_0 = arith.constant 0 : i32
    %c0_i32_1 = arith.constant 0 : i32
    return %arg0, %c0_i32, %c0_i32_0 : i32, i32, i32
  }
}

</mosaic_0001>

<sc_bundles>
// kernel: gather_offload_async_start.1
scs
__scs_entry_jumppad:
0x0: {  	(pc) =	sbr.rel $0x88, $3  }
0x1: {  	(tag) =	ssettag $0x0;
	lr =	simm.s32 $0x1  }
0x2: {  	[smem:$0x3F95] =	sst lr;
	_ =	strace $0xD0000000  }
0x3: {  	_ = 	snop  }
0x4: {  	_ = 	snop  }
0x5: {  	_ = 	snop  }
0x6: {  	_ = 	snop  }
0x7: {  	_ = 	snop  }
__scs_overlays_trampoline_lowered:
0x8: {  	[smem:$0x3FA4] =	sst s0  }
0x9: {  	[smem:$0x3FA5] =	sst s1  }
0xa: {  	[smem:$0x3FA6] =	sst s2  }
0xb: {  	[smem:$0x3FA7] =	sst s3  }
0xc: {  	[smem:$0x3FA8] =	sst s4  }
0xd: {  	[smem:$0x3FA9] =	sst s5  }
0xe: {  	[smem:$0x3FAA] =	sst s6  }
0xf: {  	[smem:$0x3FAB] =	sst s7  }
0x10: {  	[smem:$0x3FAC] =	sst s8  }
0x11: {  	[smem:$0x3FAD] =	sst s9;
	s0 =	simm.s32 @!p0 $0x0  }
0x12: {  	s1 =	sld [smem:$0x3F93];
	s0 =	simm.s32 @p0 $0x1  }
0x13: {  	[smem:$0x3FAE] =	sst s0;
	s0 =	simm.s32 @!p1 $0x0  }
0x14: {  	s2 =	sld [smem:$0x3F92];
	s0 =	simm.s32 @p1 $0x1  }
0x15: {  	[smem:$0x3FAF] =	sst s0;
	s0 =	simm.s32 @!p2 $0x0  }
0x16: {  	s3 =	sld [smem:$0x3FDB];
	s0 =	simm.s32 @p2 $0x1  }
0x17: {  	s4 =	simm.s32 $0x1BF5;
	[smem:$0x3FB1] =	sst s0  }
0x18: {  	s0 =	sld [smem:$0x3F94];
	_ =	swait.ge [sflag:s4], $0x0  }
0x19: {  	s7 =	sld [smem:$0x3F95]  }
0x1a: {  	s8 =	sadd.s32 $0xFFFFE003, lr  }
0x1b: {  	s9 =	sadd.s32 $0xFFFFFEF7, lr;
	s5 =	simm.s32 $0xFFFFFFFF;
	p2 =	slt.u32 s8, $0xFFFFF086  }
0x1c: {  	p1 =	slt.u32 s9, $0xF7A;
	s5 =	simm.s32 @!p2 $0x0  }
0x1d: {  	s5 =	simm.s32 @p1 $0x1;
	p0 =	seq.s32 s7, s2  }
0x1e: {  	s7 =	smul.u32 @!p0 $0xF7A, s2;
	p2 =	seq.s32 @!p0 s5, $0x0  }
0x1f: {  	s9 =	smul.u32 $0xF7A, s1;
	s8 =	simm.s32 @!p0 $0x1BF5;
	p2 =	por !p2, p0  }
0x20: {  	[sflag:s8] =	ssyncset.s32 @!p0 $0xFFFFF086;
	s6 =	sadd.s32 @!p0 s3, s7;
	s7 =	simm.s32 @!p0 $0x108  }
0x21: {  	s3 =	sadd.s32 s3, s9;
	s6 =	sadd.s32 @!p0 $0x88, s6;
	s7 =	simm.s32 @p2 $0x1082  }
0x22: {  	[simem:s7], [sflag:s8] =	dma.local @!p0 [hbm:s6], $0xF7A  }
0x23: {  	s9 =	sor.u32 $0xD0000000, s2;
	s6 =	simm.s32 $0x108;
	_ =	swait.ge @!p0 [sflag:s8], $0x0  }
0x24: {  	s3 =	sadd.s32 $0x88, s3;
	s6 =	simm.s32 @!p1 $0x1082;
	[sflag:s4] =	ssyncset.s32 $0xFFFFF086  }
0x25: {  	[simem:s6], [sflag:s4] =	dma.local [hbm:s3], $0xF7A  }
0x26: {  	[smem:$0x3F95] =	sst s1;
	(tag) =	ssettag s2;
	_ =	strace s9  }
0x27: {  	s1 =	sld [smem:$0x3FA5]  }
0x28: {  	s2 =	sld [smem:$0x3FA6]  }
0x29: {  	s4 =	sld [smem:$0x3FA8]  }
0x2a: {  	p0 =	seq.s32 s5, $0x0;
	s5 =	sld [smem:$0x3FA9]  }
0x2b: {  	s6 =	sld [smem:$0x3FAA]  }
0x2c: {  	s7 =	sld [smem:$0x3FAB]  }
0x2d: {  	s3 =	simm.s32 $0x108;
	s8 =	sld [smem:$0x3FAC]  }
0x2e: {  	s3 =	simm.s32 @!p0 $0x1082;
	s9 =	sld [smem:$0x3FAD]  }
0x2f: {  	lr =	sadd.s32 s0, s3;
	s0 =	sld [smem:$0x3FA4]  }
0x30: {  	s3 =	sld [smem:$0x3FA7]  }
0x31: {  	[smem:$0x3FB0] =	sst s10  }
0x32: {  	s10 =	sld [smem:$0x3FAE];
	_ =	sdelay $0x3  }
0x33: {  	p0 =	seq.s32 s10, $0x1;
	s10 =	sld [smem:$0x3FB0];
	_ =	sdelay $0x3  }
0x34: {  	[smem:$0x3FB0] =	sst s10  }
0x35: {  	s10 =	sld [smem:$0x3FAF];
	_ =	sdelay $0x3  }
0x36: {  	p1 =	seq.s32 s10, $0x1;
	s10 =	sld [smem:$0x3FB0];
	_ =	sdelay $0x3  }
0x37: {  	[smem:$0x3FB0] =	sst s10  }
0x38: {  	s10 =	sld [smem:$0x3FB1]  }
0x39: {  	_ = 	snop;
	(pc) =	sbr.ind lr, $3  }
0x3a: {  	_ = 	snop  }
0x3b: {  	_ = 	snop  }
0x3c: {  	p2 =	seq.s32 s10, $0x1;
	s10 =	sld [smem:$0x3FB0]  }
0x3d: {  	_ =	shalt  }
0x3e: {  	_ =	shalt  }
0x3f: {  	_ =	shalt  }
0x40: {  	_ =	shalt  }
0x41: {  	_ =	shalt  }
0x42: {  	_ =	shalt  }
0x43: {  	_ =	shalt  }
0x44: {  	_ =	shalt  }
0x45: {  	_ =	shalt  }
0x46: {  	_ =	shalt  }
0x47: {  	_ =	shalt  }
0x48: {  	_ =	shalt  }
0x49: {  	_ =	shalt  }
0x4a: {  	_ =	shalt  }
0x4b: {  	_ =	shalt  }
0x4c: {  	_ =	shalt  }
0x4d: {  	_ =	shalt  }
0x4e: {  	_ =	shalt  }
0x4f: {  	_ =	shalt  }
0x50: {  	_ =	shalt  }
0x51: {  	_ =	shalt  }
0x52: {  	_ =	shalt  }
0x53: {  	_ =	shalt  }
0x54: {  	_ =	shalt  }
0x55: {  	_ =	shalt  }
0x56: {  	_ =	shalt  }
0x57: {  	_ =	shalt  }
0x58: {  	_ =	shalt  }
0x59: {  	_ =	shalt  }
0x5a: {  	_ =	shalt  }
0x5b: {  	_ =	shalt  }
0x5c: {  	_ =	shalt  }
0x5d: {  	_ =	shalt  }
0x5e: {  	_ =	shalt  }
0x5f: {  	_ =	shalt  }
0x60: {  	_ =	shalt  }
0x61: {  	_ =	shalt  }
0x62: {  	_ =	shalt  }
0x63: {  	_ =	shalt  }
0x64: {  	_ =	shalt  }
0x65: {  	_ =	shalt  }
0x66: {  	_ =	shalt  }
0x67: {  	_ =	shalt  }
0x68: {  	_ =	shalt  }
0x69: {  	_ =	shalt  }
0x6a: {  	_ =	shalt  }
0x6b: {  	_ =	shalt  }
0x6c: {  	_ =	shalt  }
0x6d: {  	_ =	shalt  }
0x6e: {  	_ =	shalt  }
0x6f: {  	_ =	shalt  }
0x70: {  	_ =	shalt  }
0x71: {  	_ =	shalt  }
0x72: {  	_ =	shalt  }
0x73: {  	_ =	shalt  }
0x74: {  	_ =	shalt  }
0x75: {  	_ =	shalt  }
0x76: {  	_ =	shalt  }
0x77: {  	_ =	shalt  }
0x78: {  	_ =	shalt  }
0x79: {  	_ =	shalt  }
0x7a: {  	_ =	shalt  }
0x7b: {  	_ =	shalt  }
0x7c: {  	_ =	shalt  }
0x7d: {  	_ =	shalt  }
0x7e: {  	_ =	shalt  }
0x7f: {  	_ =	shalt  }
0x80: {  	_ =	shalt  }
0x81: {  	_ =	shalt  }
0x82: {  	_ =	shalt  }
0x83: {  	_ =	shalt  }
0x84: {  	_ =	shalt  }
0x85: {  	_ =	shalt  }
0x86: {  	_ =	shalt  }
0x87: {  	_ =	shalt  }
.Lfunc_end0:
.L_simem_size_0:
called_computation.1_lowered:
.L_overlay_start_0:
0x88: {  	s2 =	sld [smem:$0x3FD9]  }
0x89: {  	s3 =	sld [smem:$0x3FFE];
	_ =	sdelay $0x1  }
0x8a: {  	s1 =	srdreg.scid  }
0x8b: {  	s0 =	sand.u32 $0x1, s1  }
0x8c: {  	s16 =	sshll.u32 s0, $0xA;
	s2 =	sadd.s32 s3, s2  }
0x8d: {  	s2 =	sadd.s32 s2, s16  }
0x8e: {  	[smem:$0x3FBC] =	sst s2  }
0x8f: {  	_ = 	snop  }
0x90: {  	(tm) =	ssettm $0x1  }
0x91: {  	s17 =	sld [smem:$0x3FFB];
	_ =	sdelay $0x3  }
0x92: {  	_ =	strace s17  }
0x93: {  	s2 =	sld [smem:$0x3FFC];
	_ =	sdelay $0x3  }
0x94: {  	_ =	strace s2  }
0x95: {  	s2 =	sld [smem:$0x3FFD];
	_ =	sdelay $0x3  }
0x96: {  	_ =	strace s2  }
0x97: {  	_ =	strace $0x8FFFFFFF  }
0x98: {  	s18 =	sld [smem:$0x3FDB];
	_ =	sdelay $0x1  }
0x99: {  	s19 =	simm.s32 $_scs_section_size  }
0x9a: {  	s4 =	simm.s32 $_size__tile_overlayer_lowered;
	s5 =	simm.s32 $_tile_overlayer_lowered  }
0x9b: {  	s22 =	simm.s32 $0x1BFF;
	s21 =	sshll.u32 s5, $0x1;
	s2 =	sadd.s32 s19, s18  }
0x9c: {  	s6 =	simm.s32 $0x0;
	s20 =	sshll.u32 s4, $0x1;
	s4 =	sadd.s32 s21, s2  }
0x9d: {  	[timem:s6], [sflag:s22] =	dma.local [hbm:s4], s20  }
0x9e: {  	_ =	swait.ge [sflag:s22], s20  }
0x9f: {  	s3 =	ssub.s32 $0x0, s20;
	[sflag:s22] =	ssyncset.done $0x0  }
0xa0: {  	[sflag:s22] =	ssyncadd.s32 s3;
	_ =	sdelay $0x1  }
0xa1: {  	s23 =	simm.s32 $0x1B8B  }
0xa2: {  	_ =	swait.ge [sflag:s23], $0x1  }
0xa3: {  	[sflag:s23] =	ssyncset.done $0x0  }
0xa4: {  	s25 =	simm.s32 $0x1B8E;
	s24 =	sld [smem:$0x3FFE];
	[sflag:s23] =	ssyncadd.s32 $0xFFFFFFFF  }
0xa5: {  	s26 =	simm.s32 $execute0_lowered;
	[smem:$0x3FD2] =	sst s25  }
0xa6: {  	s4 =	sshll.u32 s26, $0x1;
	_ =	strace $0x8000004C;
	[dreg:$0x1] =	wrdreg $0xFFFFFFFF  }
0xa7: {  	s28 =	simm.s32 $_size_execute0_lowered;
	s2 =	sadd.s32 s2, s4;
	[dreg:$0x0] =	wrdreg $0x0  }
0xa8: {  	s4 =	sshll.u32 s28, $0x1;
	[dreg:$0x2] =	wrdreg s2  }
0xa9: {  	[dreg:$0x3] =	wrdreg s4  }
0xaa: {  	[dreg:$0x4] =	wrdreg $0xC0  }
0xab: {  	_ =	task [dreg:s6], $0x5FFFF  }
0xac: {  	[dreg:$0x1] =	wrdreg $0xFFFFFFFF  }
0xad: {  	[dreg:$0x0] =	wrdreg $0x60  }
0xae: {  	[dreg:$0x2] =	wrdreg s24  }
0xaf: {  	[dreg:$0x3] =	wrdreg $0x9  }
0xb0: {  	_ =	task.clear_ibuf [dreg:s6], $0x4FFFF;
	_ =	strace $0x9000004C  }
0xb1: {  	s29 =	simm.s32 $0x9;
	_ =	strace $0x8000004E  }
0xb2: {  	_ =	swait.ge [sflag:s29], $0x1  }
0xb3: {  	[sflag:s29] =	ssyncadd.s32 $0xFFFFFFFF  }
0xb4: {  	_ =	strace $0x9000004E  }
0xb5: {  	_ =	sfence  }
0xb6: {  	s30 =	sld [smem:$0x0];
	_ =	sdelay $0x2  }
0xb7: {  	s31 =	sshll.u32 s1, $0xD;
	s1 =	sshrl.u32 s1, $0x2  }
0xb8: {  	s3 =	sand.u32 $0x4000, s31;
	s1 =	sadd.s32 s1, s30  }
0xb9: {  	s0 =	sor.u32 s3, s0;
	s1 =	sshll.u32 s1, $0x11  }
0xba: {  	s0 =	sor.u32 s1, s0  }
0xbb: {  	s0 =	sadd.s32 $0x8F2B, s0  }
0xbc: {  	[sflag:s0] =	ssyncadd.remote.s32 $0x1  }
0xbd: {  	_ =	sfence.sel $0xFFFF  }
0xbe: {  	[dreg:$0x0] =	wrdreg $0xFFFFFFFF;
	(pc) =	sbr.abs _section_cstart, $3  }
0xbf: {  	[dreg:$0x1] =	wrdreg $0xFFFFFFFF  }
0xc0: {  	_ =	task.clear_ibuf [dreg:s6], $0x2FFFF;
	_ =	strace $0x9FFFFFFF  }
0xc1: {  	(tm) =	ssettm $0x7FFFFFFF  }
tec
execute0_lowered:
.L_overlay_start_1:
0x0: {  	(tag) =	ssettag $0x1  }
0x1: {  	s0 =	srdreg.scid  }
0x2: {  	s1 =	sshll.u32 s0, $0x4  }
0x3: {  	s0 =	stileid.u32;
	s1 =	sand.u32 $0x10, s1  }
0x4: {  	s1 =	sor.u32 s0, s1  }
0x5: {  	s2 =	smin.u32 s1, $0x12;
	s3 =	sshll.u32 s1, $0x3  }
0x6: {  	s2 =	sadd.s32 s2, s3  }
0x7: {  	p0 =	slt.u32 s1, $0x12;
	s1 =	simm.s32 $0x2D0;
	s2 =	smul.u32 $0x50, s2  }
0x8: {  	s1 =	simm.s32 @!p0 $0x280  }
0x9: {  	s1 =	sadd.s32 s1, s2  }
0xa: {  	s3 =	smin.u32 s1, $0x55A0  }
0xb: {  	s7 =	ssub.s32 s3, s2  }
0xc: {  	p0 =	sgt.s32 s7, $0x0  }
0xd: {  	s7 =	simm.s32 @!p0 $0x0  }
0xe: {  	s31 =	smul.u32 $0xCCCD, s7  }
0xf: {  	s4 =	rddreg [dreg:$0x0];
	s6 =	simm.s32 $0x1  }
0x10: {  	s10 =	simm.s32 $0x3;
	s13 =	simm.s32 $0x0;
	s8 =	sshrl.u32 s31, $0x16  }
0x11: {  	s12 =	simm.s32 $0x0;
	s5 =	sadd.s32 $0x2400, s4;
	s9 =	smul.u32 $0x50, s8  }
.Ltmp0:
0x12: {  	s11 =	smov.u32 s2;
	s1 =	rddreg [dreg:$0x1];
	(pc) =	sbr.rel .LBB2_1-.Ltmp0, $4  }
0x13: {  	_ =	strace $0x8000004D;
	p0 =	sne.s32 s7, s9;
	s9 =	simm.s32 $0x1  }
0x14: {  	[sflag:s6] =	ssyncpa.u1 $0x0;
	s7 =	simm.s32 $0x2;
	s9 =	simm.s32 @!p0 $0x0  }
0x15: {  	[sflag:s7] =	ssyncpa.u1 $0x0;
	p0 =	por $0x0, $0x0;
	s8 =	sadd.s32 s8, s9  }
0x16: {  	vm0 =	vmmov $0xff;
	vm1 =	vcmask $0x3F20;
	s9 =	sadd.s32 $0x36400, s4;
	[sflag:s10] =	ssyncpa.u1 $0x0;
	s10 =	sadd.s32 $0x1, s8  }
.LBB2_6:
0x17: {  	[hbm:s17] =	stream.linear.scatter [tilespmem:s14], [sflag:$0x3], $0x400, $0x38;
	[tilespmem:$0x50A0] =	vst v63  }
.LBB2_7:
0x18: {  	s13 =	sadd.s32 $0x50, s11  }
0x19: {  	s15 =	smov.u32 s2;
	p2 =	slt.s32 s13, s3  }
0x1a: {  	s15 =	smov.u32 @p2 s13;
	p2 =	sne.s32 s12, s10  }
.Ltmp1:
0x1b: {  	p1 =	slt.u32 s12, $0x2;
	(pc) =	sbr.rel @!p2 .LBB2_8-.Ltmp1, $4  }
0x1c: {  	s14 =	simm.s32 @!p1 $0x3  }
0x1d: {  	s16 =	sadd.s32 $0x1, s12;
	_ =	swait.ge @!p1 [sflag:s14], $0x2800  }
0x1e: {  	p0 =	por !p0, !p0;
	s13 =	smov.u32 s11;
	[sflag:s14] =	ssyncset.done @!p1 $0x0  }
0x1f: {  	s12 =	smov.u32 s16;
	s11 =	smov.u32 s15;
	[sflag:s14] =	ssyncadd.s32 @!p1 $0xFFFFD800  }
.LBB2_1:
0x20: {  	p1 =	sge.u32 s12, s8  }
0x21: {  	s14 =	sxor.u32 @!p1 $0xFFFFFFFF, s12  }
0x22: {  	s14 =	sand.u32 @!p1 $0x1, s14  }
0x23: {  	s14 =	smul.u32 @!p1 $0x140, s14  }
0x24: {  	s31 =	sadd.s32 $0xFFFFFFFF, s12;
	s15 =	sshrl.u32 @!p1 s11, $0x3  }
0x25: {  	s16 =	sand.u32 @!p1 $0x7, s11;
	s15 =	sadd.s32 @!p1 s4, s15;
	s14 =	sshrl.u32 @!p1 s14, $0x2  }
0x26: {  	[tilespmem:s14], [sflag:$0x2] =	stream.linear.gather @!p1 [hbm4b:s15+s16], $0x50, $0x38;
	[tilespmem:$0x50A0] =	vst v63  }
0x27: {  	p1 =	sge.u32 s31, s8  }
.Ltmp2:
0x28: {  	_ = 	snop;
	(pc) =	sbr.rel @p1 .LBB2_7-.Ltmp2, $1  }
0x29: {  	_ =	sdelay $0x3  }
0x2a: {  	s14 =	simm.s32 $0x1  }
0x2b: {  	s14 =	simm.s32 @!p0 $0x0  }
0x2c: {  	s15 =	smul.u32 $0x140, s14  }
0x2d: {  	_ =	swait.ge [sflag:s7], $0x50  }
0x2e: {  	[sflag:s7] =	ssyncset.done $0x0;
	s16 =	sshrl.u32 s15, $0x2  }
0x2f: {  	[sflag:s7] =	ssyncadd.s32 $0xFFFFFFB0;
	s15 =	sadd.s32 $0x0, s16  }
0x30: {  	v0 =	vld.msk [tilespmem:s15+$0x0 ss:$0x1], $0xffff;
	_ =	sdelay $0x4  }
0x31: {  	v1 =	vand.u32 $0x3, v0;
	v2 =	vshll.u32 v0, $0x5  }
0x32: {  	vm2 =	veq.s32 v0, $0x80000000;
	v0 =	vmul.u32 $0x68000, v1;
	v1 =	vand.u32 $0x7FF80, v2  }
0x33: {  	v1 =	vsel vm2, $0xFFFFFF80, v1  }
0x34: {  	v0 =	vsel vm2, $0xFFF98000, v0;
	v2 =	vand.u32 $0xFFFFFC00, v1  }
0x35: {  	v1 =	vand.u32 $0x380, v1;
	v0 =	vadd.s32 v0, v2  }
0x36: {  	v0 =	vor.u32 v1, v0  }
0x37: {  	v0 =	vshrl.u32 v0, $0x3  }
0x38: {  	s14 =	smul.u32 $0xA000, s14;
	_ =	sdelay $0x1  }
0x39: {  	s14 =	sshrl.u32 s14, $0x2  }
0x3a: {  	s14 =	sor.u32 $0xA0, s14  }
0x3b: {  	[tilespmem:s14], [sflag:$0x1] =	stream.indirect_vreg.gather [hbm:s5], $0x80, v0, vm0, $0x38;
	[tilespmem:$0x50A0] =	vst v63  }
0x3c: {  	s17 =	sadd.s32 $0x10, s16;
	s15 =	sadd.s32 $0x400, s14  }
0x3d: {  	[tilespmem:s15], [sflag:$0x1] =	stream.indirect_vreg.gather [hbm:s5], $0x80, v0, vm1, $0x38;
	[tilespmem:$0x50A0] =	vst v63  }
0x3e: {  	s18 =	simm.s32 $0x80;
	v0 =	vld.msk [tilespmem:s17+$0x0 ss:$0x1], $0xffff;
	s17 =	smov.u32 s14  }
.LBB2_3:
0x3f: {  	p1 =	sne.s32 s18, $0x100;
	_ =	sdelay $0x4  }
0x40: {  	v1 =	vand.u32 $0x3, v0;
	v2 =	vshll.u32 v0, $0x5  }
0x41: {  	vm2 =	veq.s32 v0, $0x80000000;
	v0 =	vmul.u32 $0x68000, v1;
	v1 =	vand.u32 $0x7FF80, v2  }
0x42: {  	v1 =	vsel vm2, $0xFFFFFF80, v1  }
0x43: {  	v0 =	vsel vm2, $0xFFF98000, v0;
	v2 =	vand.u32 $0xFFFFFC00, v1  }
0x44: {  	v1 =	vand.u32 $0x380, v1;
	v0 =	vadd.s32 v0, v2  }
0x45: {  	v0 =	vor.u32 v1, v0  }
0x46: {  	v0 =	vshrl.u32 v0, $0x3;
	_ =	sdelay $0x3  }
.Ltmp3:
0x47: {  	s19 =	sshra.s32 s18, $0x2;
	s17 =	sadd.s32 $0x800, s17;
	(pc) =	sbr.rel @p1 .LBB2_3-.Ltmp3, $4  }
0x48: {  	[tilespmem:s17], [sflag:$0x1] =	stream.indirect_vreg.gather [hbm:s5], $0x80, v0, vm0, $0x38;
	[tilespmem:$0x50A0] =	vst v63  }
0x49: {  	s19 =	sadd.s32 s19, s16;
	s20 =	sadd.s32 $0x400, s17  }
0x4a: {  	[tilespmem:s20], [sflag:$0x1] =	stream.indirect_vreg.gather [hbm:s5], $0x80, v0, vm1, $0x38;
	[tilespmem:$0x50A0] =	vst v63  }
0x4b: {  	s18 =	sadd.s32 $0x40, s18;
	v0 =	vld.msk [tilespmem:s19+$0x0 ss:$0x1], $0xffff  }
0x4c: {  	_ =	sdelay $0x3  }
0x4d: {  	v1 =	vand.u32 $0x3, v0;
	v2 =	vshll.u32 v0, $0x5  }
0x4e: {  	vm2 =	veq.s32 v0, $0x80000000;
	v61 =	vmul.u32 $0x68000, v1;
	v62 =	vand.u32 $0x7FF80, v2  }
0x4f: {  	v1 =	vsel vm2, $0xFFFFFF80, v62  }
0x50: {  	v0 =	vsel vm2, $0xFFF98000, v61;
	v63 =	vand.u32 $0xFFFFFC00, v1  }
0x51: {  	v1 =	vand.u32 $0x380, v1;
	v0 =	vadd.s32 v0, v63  }
0x52: {  	v0 =	vor.u32 v1, v0  }
0x53: {  	v0 =	vshrl.u32 v0, $0x3;
	_ =	sdelay $0x3  }
0x54: {  	s16 =	sadd.s32 $0x800, s17  }
0x55: {  	[tilespmem:s16], [sflag:$0x1] =	stream.indirect_vreg.gather [hbm:s5], $0x80, v0, vm0, $0x38;
	[tilespmem:$0x50A0] =	vst v63  }
0x56: {  	s16 =	sadd.s32 $0x400, s16  }
0x57: {  	[tilespmem:s16], [sflag:$0x1] =	stream.indirect_vreg.gather [hbm:s5], $0x80, v0, vm1, $0x38;
	[tilespmem:$0x50A0] =	vst v63  }
0x58: {  	s13 =	sshll.u32 s13, $0x4;
	_ =	swait.ge [sflag:s6], $0x2800  }
0x59: {  	s13 =	sadd.s32 s13, s9;
	[sflag:s6] =	ssyncset.done $0x0  }
0x5a: {  	s17 =	sadd.s32 $0x0, s13;
	s16 =	simm.s32 $0x80;
	[sflag:s6] =	ssyncadd.s32 $0xFFFFD800  }
.LBB2_5:
0x5b: {  	[hbm:s17] =	stream.linear.scatter [tilespmem:s14], [sflag:$0x3], $0x400, $0x38;
	[tilespmem:$0x50A0] =	vst v63  }
0x5c: {  	s17 =	smov.u32 s16;
	s14 =	smov.u32 s15;
	p1 =	sne.s32 s16, $0x480  }
.Ltmp4:
0x5d: {  	s16 =	sadd.s32 $0x80, s16;
	(pc) =	sbr.rel @p1 .LBB2_5-.Ltmp4, $2  }
0x5e: {  	_ =	sdelay $0x2  }
0x5f: {  	s15 =	sadd.s32 $0x400, s15;
	s17 =	sadd.s32 s17, s13  }
.Ltmp5:
0x60: {  	_ = 	snop;
	(pc) =	sbr.rel .LBB2_6-.Ltmp5, $1  }
0x61: {  	_ =	sdelay $0x3  }
.LBB2_8:
0x62: {  	_ =	sfence.sel $0x180000  }
0x63: {  	s2 =	simm.s32 $0x2;
	[bflag:$0x0] =	sbarrier.arrive $0xFFFF  }
0x64: {  	s30 =	simm.s32 $0x3;
	[sflag:s2] =	ssyncpa.u1 $0x1  }
0x65: {  	s31 =	simm.s32 $0x1;
	[sflag:s30] =	ssyncpa.u1 $0x1  }
0x66: {  	[sflag:s31] =	ssyncpa.u1 $0x1  }
0x67: {  	p0 =	sne.s32 s0, $0x0;
	_ =	strace $0x9000004D  }
0x68: {  	s0 =	sadd.s32 @!p0 $0x100000, s1;
	[bflag:$0x2] =	sbarrier.arrive $0xFFFF  }
0x69: {  	[sflag:s0] =	ssyncadd.tile.s32 @!p0 $0x1;
	_ =	shalt  }
.Lfunc_end2:
_tile_overlayer_lowered:
.L_overlay_start_2:
0x6a: {  	(tag) =	ssettag $0x2  }
0x6b: {  	s0 =	rddreg [dreg:$0x0];
	s2 =	stileid.u32  }
0x6c: {  	s1 =	rddreg [dreg:$0x1];
	p0 =	sne.s32 s2, $0x0  }
0x6d: {  	s3 =	rddreg [dreg:$0x2];
	[bflag:$0x3] =	sbarrier.arrive $0xFFFF;
	s2 =	simm.s32 @!p0 $0x1C01  }
0x6e: {  	[timem:s3], [sflag:s2] =	dma.local @!p0 [hbm:s0], s1  }
0x6f: {  	s0 =	simm.s32 @!p0 $0x1  }
0x70: {  	_ =	swait.ge @!p0 [sflag:s0], s1  }
0x71: {  	s1 =	ssub.s32 @!p0 $0x0, s1;
	[sflag:s0] =	ssyncset.done @!p0 $0x0  }
0x72: {  	[sflag:s0] =	ssyncadd.s32 @!p0 s1  }
0x73: {  	[bflag:$0x3] =	sbarrier.arrive $0xFFFF  }
0x74: {  	_ =	shalt  }

// kernel: gather_offload_async_start.2
scs
__scs_entry_jumppad:
0x0: {  	(pc) =	sbr.rel $0x88, $3  }
0x1: {  	(tag) =	ssettag $0x0;
	lr =	simm.s32 $0x1  }
0x2: {  	[smem:$0x3F95] =	sst lr;
	_ =	strace $0xD0000000  }
0x3: {  	_ = 	snop  }
0x4: {  	_ = 	snop  }
0x5: {  	_ = 	snop  }
0x6: {  	_ = 	snop  }
0x7: {  	_ = 	snop  }
__scs_overlays_trampoline_lowered:
0x8: {  	[smem:$0x3FA4] =	sst s0  }
0x9: {  	[smem:$0x3FA5] =	sst s1  }
0xa: {  	[smem:$0x3FA6] =	sst s2  }
0xb: {  	[smem:$0x3FA7] =	sst s3  }
0xc: {  	[smem:$0x3FA8] =	sst s4  }
0xd: {  	[smem:$0x3FA9] =	sst s5  }
0xe: {  	[smem:$0x3FAA] =	sst s6  }
0xf: {  	[smem:$0x3FAB] =	sst s7  }
0x10: {  	[smem:$0x3FAC] =	sst s8  }
0x11: {  	[smem:$0x3FAD] =	sst s9;
	s0 =	simm.s32 @!p0 $0x0  }
0x12: {  	s1 =	sld [smem:$0x3F93];
	s0 =	simm.s32 @p0 $0x1  }
0x13: {  	[smem:$0x3FAE] =	sst s0;
	s0 =	simm.s32 @!p1 $0x0  }
0x14: {  	s2 =	sld [smem:$0x3F92];
	s0 =	simm.s32 @p1 $0x1  }
0x15: {  	[smem:$0x3FAF] =	sst s0;
	s0 =	simm.s32 @!p2 $0x0  }
0x16: {  	s3 =	sld [smem:$0x3FDB];
	s0 =	simm.s32 @p2 $0x1  }
0x17: {  	s4 =	simm.s32 $0x1BF5;
	[smem:$0x3FB1] =	sst s0  }
0x18: {  	s0 =	sld [smem:$0x3F94];
	_ =	swait.ge [sflag:s4], $0x0  }
0x19: {  	s7 =	sld [smem:$0x3F95]  }
0x1a: {  	s8 =	sadd.s32 $0xFFFFE003, lr  }
0x1b: {  	s9 =	sadd.s32 $0xFFFFFEF7, lr;
	s5 =	simm.s32 $0xFFFFFFFF;
	p2 =	slt.u32 s8, $0xFFFFF086  }
0x1c: {  	p1 =	slt.u32 s9, $0xF7A;
	s5 =	simm.s32 @!p2 $0x0  }
0x1d: {  	s5 =	simm.s32 @p1 $0x1;
	p0 =	seq.s32 s7, s2  }
0x1e: {  	s7 =	smul.u32 @!p0 $0xF7A, s2;
	p2 =	seq.s32 @!p0 s5, $0x0  }
0x1f: {  	s9 =	smul.u32 $0xF7A, s1;
	s8 =	simm.s32 @!p0 $0x1BF5;
	p2 =	por !p2, p0  }
0x20: {  	[sflag:s8] =	ssyncset.s32 @!p0 $0xFFFFF086;
	s6 =	sadd.s32 @!p0 s3, s7;
	s7 =	simm.s32 @!p0 $0x108  }
0x21: {  	s3 =	sadd.s32 s3, s9;
	s6 =	sadd.s32 @!p0 $0x88, s6;
	s7 =	simm.s32 @p2 $0x1082  }
0x22: {  	[simem:s7], [sflag:s8] =	dma.local @!p0 [hbm:s6], $0xF7A  }
0x23: {  	s9 =	sor.u32 $0xD0000000, s2;
	s6 =	simm.s32 $0x108;
	_ =	swait.ge @!p0 [sflag:s8], $0x0  }
0x24: {  	s3 =	sadd.s32 $0x88, s3;
	s6 =	simm.s32 @!p1 $0x1082;
	[sflag:s4] =	ssyncset.s32 $0xFFFFF086  }
0x25: {  	[simem:s6], [sflag:s4] =	dma.local [hbm:s3], $0xF7A  }
0x26: {  	[smem:$0x3F95] =	sst s1;
	(tag) =	ssettag s2;
	_ =	strace s9  }
0x27: {  	s1 =	sld [smem:$0x3FA5]  }
0x28: {  	s2 =	sld [smem:$0x3FA6]  }
0x29: {  	s4 =	sld [smem:$0x3FA8]  }
0x2a: {  	p0 =	seq.s32 s5, $0x0;
	s5 =	sld [smem:$0x3FA9]  }
0x2b: {  	s6 =	sld [smem:$0x3FAA]  }
0x2c: {  	s7 =	sld [smem:$0x3FAB]  }
0x2d: {  	s3 =	simm.s32 $0x108;
	s8 =	sld [smem:$0x3FAC]  }
0x2e: {  	s3 =	simm.s32 @!p0 $0x1082;
	s9 =	sld [smem:$0x3FAD]  }
0x2f: {  	lr =	sadd.s32 s0, s3;
	s0 =	sld [smem:$0x3FA4]  }
0x30: {  	s3 =	sld [smem:$0x3FA7]  }
0x31: {  	[smem:$0x3FB0] =	sst s10  }
0x32: {  	s10 =	sld [smem:$0x3FAE];
	_ =	sdelay $0x3  }
0x33: {  	p0 =	seq.s32 s10, $0x1;
	s10 =	sld [smem:$0x3FB0];
	_ =	sdelay $0x3  }
0x34: {  	[smem:$0x3FB0] =	sst s10  }
0x35: {  	s10 =	sld [smem:$0x3FAF];
	_ =	sdelay $0x3  }
0x36: {  	p1 =	seq.s32 s10, $0x1;
	s10 =	sld [smem:$0x3FB0];
	_ =	sdelay $0x3  }
0x37: {  	[smem:$0x3FB0] =	sst s10  }
0x38: {  	s10 =	sld [smem:$0x3FB1]  }
0x39: {  	_ = 	snop;
	(pc) =	sbr.ind lr, $3  }
0x3a: {  	_ = 	snop  }
0x3b: {  	_ = 	snop  }
0x3c: {  	p2 =	seq.s32 s10, $0x1;
	s10 =	sld [smem:$0x3FB0]  }
0x3d: {  	_ =	shalt  }
0x3e: {  	_ =	shalt  }
0x3f: {  	_ =	shalt  }
0x40: {  	_ =	shalt  }
0x41: {  	_ =	shalt  }
0x42: {  	_ =	shalt  }
0x43: {  	_ =	shalt  }
0x44: {  	_ =	shalt  }
0x45: {  	_ =	shalt  }
0x46: {  	_ =	shalt  }
0x47: {  	_ =	shalt  }
0x48: {  	_ =	shalt  }
0x49: {  	_ =	shalt  }
0x4a: {  	_ =	shalt  }
0x4b: {  	_ =	shalt  }
0x4c: {  	_ =	shalt  }
0x4d: {  	_ =	shalt  }
0x4e: {  	_ =	shalt  }
0x4f: {  	_ =	shalt  }
0x50: {  	_ =	shalt  }
0x51: {  	_ =	shalt  }
0x52: {  	_ =	shalt  }
0x53: {  	_ =	shalt  }
0x54: {  	_ =	shalt  }
0x55: {  	_ =	shalt  }
0x56: {  	_ =	shalt  }
0x57: {  	_ =	shalt  }
0x58: {  	_ =	shalt  }
0x59: {  	_ =	shalt  }
0x5a: {  	_ =	shalt  }
0x5b: {  	_ =	shalt  }
0x5c: {  	_ =	shalt  }
0x5d: {  	_ =	shalt  }
0x5e: {  	_ =	shalt  }
0x5f: {  	_ =	shalt  }
0x60: {  	_ =	shalt  }
0x61: {  	_ =	shalt  }
0x62: {  	_ =	shalt  }
0x63: {  	_ =	shalt  }
0x64: {  	_ =	shalt  }
0x65: {  	_ =	shalt  }
0x66: {  	_ =	shalt  }
0x67: {  	_ =	shalt  }
0x68: {  	_ =	shalt  }
0x69: {  	_ =	shalt  }
0x6a: {  	_ =	shalt  }
0x6b: {  	_ =	shalt  }
0x6c: {  	_ =	shalt  }
0x6d: {  	_ =	shalt  }
0x6e: {  	_ =	shalt  }
0x6f: {  	_ =	shalt  }
0x70: {  	_ =	shalt  }
0x71: {  	_ =	shalt  }
0x72: {  	_ =	shalt  }
0x73: {  	_ =	shalt  }
0x74: {  	_ =	shalt  }
0x75: {  	_ =	shalt  }
0x76: {  	_ =	shalt  }
0x77: {  	_ =	shalt  }
0x78: {  	_ =	shalt  }
0x79: {  	_ =	shalt  }
0x7a: {  	_ =	shalt  }
0x7b: {  	_ =	shalt  }
0x7c: {  	_ =	shalt  }
0x7d: {  	_ =	shalt  }
0x7e: {  	_ =	shalt  }
0x7f: {  	_ =	shalt  }
0x80: {  	_ =	shalt  }
0x81: {  	_ =	shalt  }
0x82: {  	_ =	shalt  }
0x83: {  	_ =	shalt  }
0x84: {  	_ =	shalt  }
0x85: {  	_ =	shalt  }
0x86: {  	_ =	shalt  }
0x87: {  	_ =	shalt  }
.Lfunc_end0:
.L_simem_size_0:
called_computation.2_lowered:
.L_overlay_start_0:
0x88: {  	s2 =	sld [smem:$0x3FD9]  }
0x89: {  	s3 =	sld [smem:$0x3FFE];
	_ =	sdelay $0x1  }
0x8a: {  	s1 =	srdreg.scid  }
0x8b: {  	s0 =	sand.u32 $0x1, s1  }
0x8c: {  	s16 =	sshll.u32 s0, $0xA;
	s2 =	sadd.s32 s3, s2  }
0x8d: {  	s2 =	sadd.s32 s2, s16  }
0x8e: {  	[smem:$0x3FBC] =	sst s2  }
0x8f: {  	_ = 	snop  }
0x90: {  	(tm) =	ssettm $0x1  }
0x91: {  	s17 =	sld [smem:$0x3FFB];
	_ =	sdelay $0x3  }
0x92: {  	_ =	strace s17  }
0x93: {  	s2 =	sld [smem:$0x3FFC];
	_ =	sdelay $0x3  }
0x94: {  	_ =	strace s2  }
0x95: {  	s2 =	sld [smem:$0x3FFD];
	_ =	sdelay $0x3  }
0x96: {  	_ =	strace s2  }
0x97: {  	_ =	strace $0x8FFFFFFF  }
0x98: {  	s18 =	sld [smem:$0x3FDB];
	_ =	sdelay $0x1  }
0x99: {  	s19 =	simm.s32 $_scs_section_size  }
0x9a: {  	s4 =	simm.s32 $_size__tile_overlayer_lowered;
	s5 =	simm.s32 $_tile_overlayer_lowered  }
0x9b: {  	s22 =	simm.s32 $0x1BFF;
	s21 =	sshll.u32 s5, $0x1;
	s2 =	sadd.s32 s19, s18  }
0x9c: {  	s6 =	simm.s32 $0x0;
	s20 =	sshll.u32 s4, $0x1;
	s4 =	sadd.s32 s21, s2  }
0x9d: {  	[timem:s6], [sflag:s22] =	dma.local [hbm:s4], s20  }
0x9e: {  	_ =	swait.ge [sflag:s22], s20  }
0x9f: {  	s3 =	ssub.s32 $0x0, s20;
	[sflag:s22] =	ssyncset.done $0x0  }
0xa0: {  	[sflag:s22] =	ssyncadd.s32 s3;
	_ =	sdelay $0x1  }
0xa1: {  	s23 =	simm.s32 $0x1B8B  }
0xa2: {  	_ =	swait.ge [sflag:s23], $0x1  }
0xa3: {  	[sflag:s23] =	ssyncset.done $0x0  }
0xa4: {  	s25 =	simm.s32 $0x1B8E;
	s24 =	sld [smem:$0x3FFE];
	[sflag:s23] =	ssyncadd.s32 $0xFFFFFFFF  }
0xa5: {  	s26 =	simm.s32 $execute0_lowered;
	[smem:$0x3FD2] =	sst s25  }
0xa6: {  	s4 =	sshll.u32 s26, $0x1;
	_ =	strace $0x80000046;
	[dreg:$0x1] =	wrdreg $0xFFFFFFFF  }
0xa7: {  	s28 =	simm.s32 $_size_execute0_lowered;
	s2 =	sadd.s32 s2, s4;
	[dreg:$0x0] =	wrdreg $0x0  }
0xa8: {  	s4 =	sshll.u32 s28, $0x1;
	[dreg:$0x2] =	wrdreg s2  }
0xa9: {  	[dreg:$0x3] =	wrdreg s4  }
0xaa: {  	[dreg:$0x4] =	wrdreg $0xC0  }
0xab: {  	_ =	task [dreg:s6], $0x5FFFF  }
0xac: {  	[dreg:$0x1] =	wrdreg $0xFFFFFFFF  }
0xad: {  	[dreg:$0x0] =	wrdreg $0x60  }
0xae: {  	[dreg:$0x2] =	wrdreg s24  }
0xaf: {  	[dreg:$0x3] =	wrdreg $0x9  }
0xb0: {  	_ =	task.clear_ibuf [dreg:s6], $0x4FFFF;
	_ =	strace $0x90000046  }
0xb1: {  	s29 =	simm.s32 $0x9;
	_ =	strace $0x80000048  }
0xb2: {  	_ =	swait.ge [sflag:s29], $0x1  }
0xb3: {  	[sflag:s29] =	ssyncadd.s32 $0xFFFFFFFF  }
0xb4: {  	_ =	strace $0x90000048  }
0xb5: {  	_ =	sfence  }
0xb6: {  	s30 =	sld [smem:$0x0];
	_ =	sdelay $0x2  }
0xb7: {  	s31 =	sshll.u32 s1, $0xD;
	s1 =	sshrl.u32 s1, $0x2  }
0xb8: {  	s3 =	sand.u32 $0x4000, s31;
	s1 =	sadd.s32 s1, s30  }
0xb9: {  	s0 =	sor.u32 s3, s0;
	s1 =	sshll.u32 s1, $0x11  }
0xba: {  	s0 =	sor.u32 s1, s0  }
0xbb: {  	s0 =	sadd.s32 $0x8F2B, s0  }
0xbc: {  	[sflag:s0] =	ssyncadd.remote.s32 $0x1  }
0xbd: {  	_ =	sfence.sel $0xFFFF  }
0xbe: {  	[dreg:$0x0] =	wrdreg $0xFFFFFFFF;
	(pc) =	sbr.abs _section_cstart, $3  }
0xbf: {  	[dreg:$0x1] =	wrdreg $0xFFFFFFFF  }
0xc0: {  	_ =	task.clear_ibuf [dreg:s6], $0x2FFFF;
	_ =	strace $0x9FFFFFFF  }
0xc1: {  	(tm) =	ssettm $0x7FFFFFFF  }
tec
execute0_lowered:
.L_overlay_start_1:
0x0: {  	(tag) =	ssettag $0x1  }
0x1: {  	s0 =	stileid.u32;
	s1 =	srdreg.scid  }
0x2: {  	s1 =	sand.u32 $0x1, s1;
	s2 =	sshll.u32 s0, $0x1  }
0x3: {  	s1 =	sor.u32 s2, s1  }
0x4: {  	s2 =	smul.u32 $0x50, s1;
	_ =	sdelay $0x1  }
0x5: {  	s6 =	ssub.s32 $0x55A0, s2  }
0x6: {  	s31 =	smul.u32 $0x6667, s6  }
0x7: {  	s3 =	rddreg [dreg:$0x0];
	s5 =	simm.s32 $0x1  }
0x8: {  	s9 =	simm.s32 $0x3;
	s10 =	simm.s32 $0x0;
	s7 =	sshrl.u32 s31, $0x1A  }
0x9: {  	s13 =	simm.s32 $0x0;
	s12 =	simm.s32 $0x0;
	s8 =	smul.u32 $0xA00, s7  }
.Ltmp0:
0xa: {  	s4 =	sadd.s32 $0x1800, s3;
	s1 =	rddreg [dreg:$0x1];
	(pc) =	sbr.rel .LBB2_1-.Ltmp0, $4  }
0xb: {  	_ =	strace $0x80000047;
	p0 =	sne.s32 s6, s8;
	s8 =	simm.s32 $0x1  }
0xc: {  	[sflag:s5] =	ssyncpa.u1 $0x0;
	s6 =	simm.s32 $0x2;
	s8 =	simm.s32 @!p0 $0x0  }
0xd: {  	s11 =	smov.u32 s2;
	[sflag:s6] =	ssyncpa.u1 $0x0;
	s7 =	sadd.s32 s7, s8  }
0xe: {  	vm0 =	vmmov $0xffff;
	s8 =	sadd.s32 $0x36400, s3;
	[sflag:s9] =	ssyncpa.u1 $0x0;
	s9 =	sadd.s32 $0x1, s7  }
.LBB2_4:
0xf: {  	vm1 =	veq.s32 v4, $0x80000000;
	v56 =	vand.u32 $0x3, v4;
	v6 =	vand.u32 $0x1FFF, v6  }
0x10: {  	v2 =	vor.u32 v2, v5;
	v59 =	vshrl.u32 v1, $0x2;
	v60 =	vand.u32 $0x3, v1  }
0x11: {  	v4 =	vsel vm1, $0xFFFFFFFF, v56;
	v6 =	vsel vm1, $0xFFFFFFFF, v6;
	v2 =	vor.u32 v3, v2  }
0x12: {  	vm1 =	veq.s32 v1, $0x80000000;
	v5 =	vand.u32 $0x1FFF, v59;
	v7 =	vshrl.u32 v4, $0x2  }
0x13: {  	v57 =	vshll.u32 v6, $0x2;
	v4 =	vshll.u32 v4, $0x7;
	v1 =	vsel vm1, $0xFFFFFFFF, v60  }
0x14: {  	v5 =	vsel vm1, $0xFFFFFFFF, v5;
	v6 =	vand.u32 $0x7F, v6;
	v7 =	vmul.u32 $0x5600, v7  }
0x15: {  	v58 =	vand.u32 $0xFFFFFE00, v57;
	v4 =	vand.u32 $0x180, v4;
	v61 =	vshrl.u32 v1, $0x2  }
0x16: {  	v62 =	vshll.u32 v5, $0x2;
	v3 =	vadd.s32 v7, v58;
	v7 =	vmul.u32 $0x5600, v61  }
0x17: {  	v1 =	vshll.u32 v1, $0x7;
	v3 =	vor.u32 v4, v3;
	v4 =	vand.u32 $0xFFFFFE00, v62  }
0x18: {  	v1 =	vand.u32 $0x180, v1;
	v3 =	vor.u32 v6, v3;
	v4 =	vadd.s32 v7, v4  }
0x19: {  	[tilespmem:s16], [sflag:$0x1] =	stream.indirect_vreg.gather [hbm4b:s3+s10], $0x1, v0, vm0, $0x4038;
	v63 =	vand.u32 $0x7F, v5;
	v1 =	vor.u32 v1, v4;
	[tilespmem:$0x140] =	vst v63  }
0x1a: {  	s15 =	sadd.s32 $0x10, s15;
	(ifvalue) =	ssetifvalue $0x7FFFFFFF;
	v0 =	vor.u32 v63, v1  }
0x1b: {  	[tilespmem:s15], [sflag:$0x1] =	stream.indirect_vreg.gather [hbm4b:s3+s10], $0x1, v2, vm0, $0x4038;
	[tilespmem:$0x140] =	vst v63  }
0x1c: {  	s15 =	sadd.s32 $0x10, s15;
	(ifvalue) =	ssetifvalue $0x7FFFFFFF  }
0x1d: {  	[tilespmem:s15], [sflag:$0x1] =	stream.indirect_vreg.gather [hbm4b:s3+s10], $0x1, v3, vm0, $0x4038;
	[tilespmem:$0x140] =	vst v63  }
0x1e: {  	s15 =	sadd.s32 $0x10, s15;
	(ifvalue) =	ssetifvalue $0x7FFFFFFF  }
0x1f: {  	[tilespmem:s15], [sflag:$0x1] =	stream.indirect_vreg.gather [hbm4b:s3+s10], $0x1, v0, vm0, $0x4038;
	[tilespmem:$0x140] =	vst v63  }
0x20: {  	_ =	swait.ge [sflag:s5], $0x50  }
0x21: {  	s30 =	sshrl.u32 s13, $0x3;
	[sflag:s5] =	ssyncset.done $0x0  }
0x22: {  	s31 =	sand.u32 $0x7, s13;
	s15 =	sadd.s32 s8, s30;
	[sflag:s5] =	ssyncadd.s32 $0xFFFFFFB0  }
0x23: {  	[hbm4b:s15+s31] =	stream.linear.scatter [tilespmem:s14], [sflag:$0x3], $0x50, $0x38;
	[tilespmem:$0x140] =	vst v63  }
.LBB2_5:
0x24: {  	s15 =	sadd.s32 $0xA00, s11  }
0x25: {  	p1 =	sgt.s32 s15, $0x559F  }
0x26: {  	s15 =	smov.u32 @p1 s2;
	p1 =	sne.s32 s12, s9  }
.Ltmp1:
0x27: {  	p0 =	slt.u32 s12, $0x2;
	(pc) =	sbr.rel @!p1 .LBB2_6-.Ltmp1, $4  }
0x28: {  	s14 =	simm.s32 @!p0 $0x3  }
0x29: {  	_ =	swait.ge @!p0 [sflag:s14], $0x50  }
0x2a: {  	s16 =	sadd.s32 $0x1, s12;
	s13 =	smov.u32 s11;
	[sflag:s14] =	ssyncset.done @!p0 $0x0  }
0x2b: {  	s12 =	smov.u32 s16;
	s11 =	smov.u32 s15;
	[sflag:s14] =	ssyncadd.s32 @!p0 $0xFFFFFFB0  }
.LBB2_1:
0x2c: {  	p0 =	sge.u32 s12, s7  }
0x2d: {  	s14 =	sxor.u32 @!p0 $0xFFFFFFFF, s12  }
0x2e: {  	s14 =	sand.u32 @!p0 $0x1, s14  }
0x2f: {  	s14 =	smul.u32 @!p0 $0x140, s14  }
0x30: {  	s31 =	sadd.s32 $0xFFFFFFFF, s12;
	s15 =	sshrl.u32 @!p0 s11, $0x3  }
0x31: {  	s16 =	sand.u32 @!p0 $0x7, s11;
	s15 =	sadd.s32 @!p0 s4, s15;
	s14 =	sshrl.u32 @!p0 s14, $0x2  }
0x32: {  	[tilespmem:s14], [sflag:$0x2] =	stream.linear.gather @!p0 [hbm4b:s15+s16], $0x50, $0x38;
	[tilespmem:$0x140] =	vst v63  }
0x33: {  	p0 =	sge.u32 s31, s7  }
.Ltmp2:
0x34: {  	_ = 	snop;
	(pc) =	sbr.rel @p0 .LBB2_5-.Ltmp2, $1  }
0x35: {  	_ =	sdelay $0x3  }
0x36: {  	s14 =	sand.u32 $0x1, s12  }
0x37: {  	_ =	swait.ge [sflag:s6], $0x50;
	p0 =	seq.s32 s14, $0x1;
	s14 =	simm.s32 $0x50  }
0x38: {  	[sflag:s6] =	ssyncset.done $0x0;
	s14 =	simm.s32 @!p0 $0x0  }
0x39: {  	[sflag:s6] =	ssyncadd.s32 $0xFFFFFFB0;
	(ifvalue) =	ssetifvalue $0x7FFFFFFF;
	v0 =	vld.msk [tilespmem:s14+$0x0 ss:$0x1], $0xffff  }
0x3a: {  	s15 =	sadd.s32 $0x10, s14  }
0x3b: {  	v1 =	vld.msk [tilespmem:s15+$0x0 ss:$0x1], $0xffff;
	_ =	sdelay $0x2  }
0x3c: {  	v2 =	vshrl.u32 v0, $0x2  }
0x3d: {  	vm1 =	veq.s32 v0, $0x80000000;
	v0 =	vand.u32 $0x3, v0;
	v2 =	vand.u32 $0x1FFF, v2  }
0x3e: {  	v0 =	vsel vm1, $0xFFFFFFFF, v0;
	v6 =	vshrl.u32 v1, $0x2;
	v2 =	vsel vm1, $0xFFFFFFFF, v2  }
0x3f: {  	v3 =	vshrl.u32 v0, $0x2;
	v0 =	vshll.u32 v0, $0x7;
	vm1 =	veq.s32 v1, $0x80000000  }
0x40: {  	s15 =	sadd.s32 $0x10, s15;
	v1 =	vand.u32 $0x3, v1;
	v4 =	vshll.u32 v2, $0x2;
	v3 =	vmul.u32 $0x5600, v3  }
0x41: {  	v0 =	vand.u32 $0x180, v0;
	v7 =	vand.u32 $0x7F, v2;
	v5 =	vand.u32 $0xFFFFFE00, v4;
	v4 =	vld.msk [tilespmem:s15+$0x0 ss:$0x1], $0xffff  }
0x42: {  	v1 =	vsel vm1, $0xFFFFFFFF, v1;
	v2 =	vadd.s32 v3, v5;
	v3 =	vand.u32 $0x1FFF, v6  }
0x43: {  	v3 =	vsel vm1, $0xFFFFFFFF, v3;
	v0 =	vor.u32 v0, v2;
	v2 =	vshrl.u32 v1, $0x2  }
0x44: {  	v1 =	vshll.u32 v1, $0x7;
	v5 =	vshll.u32 v3, $0x2;
	v8 =	vmul.u32 $0x5600, v2  }
0x45: {  	s18 =	simm.s32 $0x30;
	s14 =	sor.u32 $0xA0, s14;
	s17 =	sadd.s32 $0x10, s15;
	v2 =	vand.u32 $0x180, v1;
	v0 =	vor.u32 v7, v0;
	v5 =	vand.u32 $0xFFFFFE00, v5  }
0x46: {  	s16 =	smov.u32 s14;
	s15 =	smov.u32 s14;
	v1 =	vld.msk [tilespmem:s17+$0x0 ss:$0x1], $0xffff;
	v3 =	vand.u32 $0x7F, v3;
	(ifvalue) =	ssetifvalue $0x7FFFFFFF;
	v6 =	vshrl.u32 v4, $0x2;
	v5 =	vadd.s32 v8, v5  }
.LBB2_3:
0x47: {  	s18 =	sadd.s32 $0x10, s18  }
0x48: {  	vm1 =	veq.s32 v4, $0x80000000;
	v4 =	vand.u32 $0x3, v4;
	v6 =	vand.u32 $0x1FFF, v6;
	s15 =	sadd.s32 $0x10, s15;
	p0 =	slt.u32 s18, $0x40  }
.Ltmp3:
0x49: {  	v5 =	vor.u32 v2, v5;
	v4 =	vsel vm1, $0xFFFFFFFF, v4;
	v7 =	vsel vm1, $0xFFFFFFFF, v6;
	(pc) =	sbr.rel @p0 .LBB2_3-.Ltmp3, $4  }
0x4a: {  	v2 =	vshrl.u32 v4, $0x2;
	v6 =	vshll.u32 v7, $0x2;
	v4 =	vshll.u32 v4, $0x7;
	[tilespmem:s16], [sflag:$0x1] =	stream.indirect_vreg.gather [hbm4b:s3+s10], $0x1, v0, vm0, $0x4038;
	[tilespmem:$0x140] =	vst v63  }
0x4b: {  	v0 =	vor.u32 v3, v5;
	s16 =	smov.u32 s15;
	v8 =	vmul.u32 $0x5600, v2;
	v2 =	vand.u32 $0x180, v4  }
0x4c: {  	s17 =	sadd.s32 $0x10, s17;
	v9 =	vand.u32 $0xFFFFFE00, v6  }
0x4d: {  	v3 =	vand.u32 $0x7F, v7;
	v6 =	vshrl.u32 v1, $0x2;
	v5 =	vadd.s32 v8, v9;
	(ifvalue) =	ssetifvalue $0x7FFFFFFF;
	v4 =	vmovc v1;
	v1 =	vld.msk [tilespmem:s17+$0x0 ss:$0x1], $0xffff  }
.Ltmp4:
0x4e: {  	_ = 	snop;
	(pc) =	sbr.rel .LBB2_4-.Ltmp4, $1  }
0x4f: {  	_ =	sdelay $0x3  }
.LBB2_6:
0x50: {  	_ =	sfence.sel $0x180000  }
0x51: {  	s2 =	simm.s32 $0x2;
	[bflag:$0x0] =	sbarrier.arrive $0xFFFF  }
0x52: {  	s30 =	simm.s32 $0x3;
	[sflag:s2] =	ssyncpa.u1 $0x1  }
0x53: {  	s31 =	simm.s32 $0x1;
	[sflag:s30] =	ssyncpa.u1 $0x1  }
0x54: {  	[sflag:s31] =	ssyncpa.u1 $0x1  }
0x55: {  	p0 =	sne.s32 s0, $0x0;
	_ =	strace $0x90000047  }
0x56: {  	s0 =	sadd.s32 @!p0 $0x100000, s1;
	[bflag:$0x2] =	sbarrier.arrive $0xFFFF  }
0x57: {  	[sflag:s0] =	ssyncadd.tile.s32 @!p0 $0x1;
	_ =	shalt  }
.Lfunc_end2:
_tile_overlayer_lowered:
.L_overlay_start_2:
0x58: {  	(tag) =	ssettag $0x2  }
0x59: {  	s0 =	rddreg [dreg:$0x0];
	s2 =	stileid.u32  }
0x5a: {  	s1 =	rddreg [dreg:$0x1];
	p0 =	sne.s32 s2, $0x0  }
0x5b: {  	s3 =	rddreg [dreg:$0x2];
	[bflag:$0x3] =	sbarrier.arrive $0xFFFF;
	s2 =	simm.s32 @!p0 $0x1C01  }
0x5c: {  	[timem:s3], [sflag:s2] =	dma.local @!p0 [hbm:s0], s1  }
0x5d: {  	s0 =	simm.s32 @!p0 $0x1  }
0x5e: {  	_ =	swait.ge @!p0 [sflag:s0], s1  }
0x5f: {  	s1 =	ssub.s32 @!p0 $0x0, s1;
	[sflag:s0] =	ssyncset.done @!p0 $0x0  }
0x60: {  	[sflag:s0] =	ssyncadd.s32 @!p0 s1  }
0x61: {  	[bflag:$0x3] =	sbarrier.arrive $0xFFFF  }
0x62: {  	_ =	shalt  }

// kernel: gather_offload_async_start
scs
__scs_entry_jumppad:
0x0: {  	(pc) =	sbr.rel $0x88, $3  }
0x1: {  	(tag) =	ssettag $0x0;
	lr =	simm.s32 $0x1  }
0x2: {  	[smem:$0x3F95] =	sst lr;
	_ =	strace $0xD0000000  }
0x3: {  	_ = 	snop  }
0x4: {  	_ = 	snop  }
0x5: {  	_ = 	snop  }
0x6: {  	_ = 	snop  }
0x7: {  	_ = 	snop  }
__scs_overlays_trampoline_lowered:
0x8: {  	[smem:$0x3FA4] =	sst s0  }
0x9: {  	[smem:$0x3FA5] =	sst s1  }
0xa: {  	[smem:$0x3FA6] =	sst s2  }
0xb: {  	[smem:$0x3FA7] =	sst s3  }
0xc: {  	[smem:$0x3FA8] =	sst s4  }
0xd: {  	[smem:$0x3FA9] =	sst s5  }
0xe: {  	[smem:$0x3FAA] =	sst s6  }
0xf: {  	[smem:$0x3FAB] =	sst s7  }
0x10: {  	[smem:$0x3FAC] =	sst s8  }
0x11: {  	[smem:$0x3FAD] =	sst s9;
	s0 =	simm.s32 @!p0 $0x0  }
0x12: {  	s1 =	sld [smem:$0x3F93];
	s0 =	simm.s32 @p0 $0x1  }
0x13: {  	[smem:$0x3FAE] =	sst s0;
	s0 =	simm.s32 @!p1 $0x0  }
0x14: {  	s2 =	sld [smem:$0x3F92];
	s0 =	simm.s32 @p1 $0x1  }
0x15: {  	[smem:$0x3FAF] =	sst s0;
	s0 =	simm.s32 @!p2 $0x0  }
0x16: {  	s3 =	sld [smem:$0x3FDB];
	s0 =	simm.s32 @p2 $0x1  }
0x17: {  	s4 =	simm.s32 $0x1BF5;
	[smem:$0x3FB1] =	sst s0  }
0x18: {  	s0 =	sld [smem:$0x3F94];
	_ =	swait.ge [sflag:s4], $0x0  }
0x19: {  	s7 =	sld [smem:$0x3F95]  }
0x1a: {  	s8 =	sadd.s32 $0xFFFFE003, lr  }
0x1b: {  	s9 =	sadd.s32 $0xFFFFFEF7, lr;
	s5 =	simm.s32 $0xFFFFFFFF;
	p2 =	slt.u32 s8, $0xFFFFF086  }
0x1c: {  	p1 =	slt.u32 s9, $0xF7A;
	s5 =	simm.s32 @!p2 $0x0  }
0x1d: {  	s5 =	simm.s32 @p1 $0x1;
	p0 =	seq.s32 s7, s2  }
0x1e: {  	s7 =	smul.u32 @!p0 $0xF7A, s2;
	p2 =	seq.s32 @!p0 s5, $0x0  }
0x1f: {  	s9 =	smul.u32 $0xF7A, s1;
	s8 =	simm.s32 @!p0 $0x1BF5;
	p2 =	por !p2, p0  }
0x20: {  	[sflag:s8] =	ssyncset.s32 @!p0 $0xFFFFF086;
	s6 =	sadd.s32 @!p0 s3, s7;
	s7 =	simm.s32 @!p0 $0x108  }
0x21: {  	s3 =	sadd.s32 s3, s9;
	s6 =	sadd.s32 @!p0 $0x88, s6;
	s7 =	simm.s32 @p2 $0x1082  }
0x22: {  	[simem:s7], [sflag:s8] =	dma.local @!p0 [hbm:s6], $0xF7A  }
0x23: {  	s9 =	sor.u32 $0xD0000000, s2;
	s6 =	simm.s32 $0x108;
	_ =	swait.ge @!p0 [sflag:s8], $0x0  }
0x24: {  	s3 =	sadd.s32 $0x88, s3;
	s6 =	simm.s32 @!p1 $0x1082;
	[sflag:s4] =	ssyncset.s32 $0xFFFFF086  }
0x25: {  	[simem:s6], [sflag:s4] =	dma.local [hbm:s3], $0xF7A  }
0x26: {  	[smem:$0x3F95] =	sst s1;
	(tag) =	ssettag s2;
	_ =	strace s9  }
0x27: {  	s1 =	sld [smem:$0x3FA5]  }
0x28: {  	s2 =	sld [smem:$0x3FA6]  }
0x29: {  	s4 =	sld [smem:$0x3FA8]  }
0x2a: {  	p0 =	seq.s32 s5, $0x0;
	s5 =	sld [smem:$0x3FA9]  }
0x2b: {  	s6 =	sld [smem:$0x3FAA]  }
0x2c: {  	s7 =	sld [smem:$0x3FAB]  }
0x2d: {  	s3 =	simm.s32 $0x108;
	s8 =	sld [smem:$0x3FAC]  }
0x2e: {  	s3 =	simm.s32 @!p0 $0x1082;
	s9 =	sld [smem:$0x3FAD]  }
0x2f: {  	lr =	sadd.s32 s0, s3;
	s0 =	sld [smem:$0x3FA4]  }
0x30: {  	s3 =	sld [smem:$0x3FA7]  }
0x31: {  	[smem:$0x3FB0] =	sst s10  }
0x32: {  	s10 =	sld [smem:$0x3FAE];
	_ =	sdelay $0x3  }
0x33: {  	p0 =	seq.s32 s10, $0x1;
	s10 =	sld [smem:$0x3FB0];
	_ =	sdelay $0x3  }
0x34: {  	[smem:$0x3FB0] =	sst s10  }
0x35: {  	s10 =	sld [smem:$0x3FAF];
	_ =	sdelay $0x3  }
0x36: {  	p1 =	seq.s32 s10, $0x1;
	s10 =	sld [smem:$0x3FB0];
	_ =	sdelay $0x3  }
0x37: {  	[smem:$0x3FB0] =	sst s10  }
0x38: {  	s10 =	sld [smem:$0x3FB1]  }
0x39: {  	_ = 	snop;
	(pc) =	sbr.ind lr, $3  }
0x3a: {  	_ = 	snop  }
0x3b: {  	_ = 	snop  }
0x3c: {  	p2 =	seq.s32 s10, $0x1;
	s10 =	sld [smem:$0x3FB0]  }
0x3d: {  	_ =	shalt  }
0x3e: {  	_ =	shalt  }
0x3f: {  	_ =	shalt  }
0x40: {  	_ =	shalt  }
0x41: {  	_ =	shalt  }
0x42: {  	_ =	shalt  }
0x43: {  	_ =	shalt  }
0x44: {  	_ =	shalt  }
0x45: {  	_ =	shalt  }
0x46: {  	_ =	shalt  }
0x47: {  	_ =	shalt  }
0x48: {  	_ =	shalt  }
0x49: {  	_ =	shalt  }
0x4a: {  	_ =	shalt  }
0x4b: {  	_ =	shalt  }
0x4c: {  	_ =	shalt  }
0x4d: {  	_ =	shalt  }
0x4e: {  	_ =	shalt  }
0x4f: {  	_ =	shalt  }
0x50: {  	_ =	shalt  }
0x51: {  	_ =	shalt  }
0x52: {  	_ =	shalt  }
0x53: {  	_ =	shalt  }
0x54: {  	_ =	shalt  }
0x55: {  	_ =	shalt  }
0x56: {  	_ =	shalt  }
0x57: {  	_ =	shalt  }
0x58: {  	_ =	shalt  }
0x59: {  	_ =	shalt  }
0x5a: {  	_ =	shalt  }
0x5b: {  	_ =	shalt  }
0x5c: {  	_ =	shalt  }
0x5d: {  	_ =	shalt  }
0x5e: {  	_ =	shalt  }
0x5f: {  	_ =	shalt  }
0x60: {  	_ =	shalt  }
0x61: {  	_ =	shalt  }
0x62: {  	_ =	shalt  }
0x63: {  	_ =	shalt  }
0x64: {  	_ =	shalt  }
0x65: {  	_ =	shalt  }
0x66: {  	_ =	shalt  }
0x67: {  	_ =	shalt  }
0x68: {  	_ =	shalt  }
0x69: {  	_ =	shalt  }
0x6a: {  	_ =	shalt  }
0x6b: {  	_ =	shalt  }
0x6c: {  	_ =	shalt  }
0x6d: {  	_ =	shalt  }
0x6e: {  	_ =	shalt  }
0x6f: {  	_ =	shalt  }
0x70: {  	_ =	shalt  }
0x71: {  	_ =	shalt  }
0x72: {  	_ =	shalt  }
0x73: {  	_ =	shalt  }
0x74: {  	_ =	shalt  }
0x75: {  	_ =	shalt  }
0x76: {  	_ =	shalt  }
0x77: {  	_ =	shalt  }
0x78: {  	_ =	shalt  }
0x79: {  	_ =	shalt  }
0x7a: {  	_ =	shalt  }
0x7b: {  	_ =	shalt  }
0x7c: {  	_ =	shalt  }
0x7d: {  	_ =	shalt  }
0x7e: {  	_ =	shalt  }
0x7f: {  	_ =	shalt  }
0x80: {  	_ =	shalt  }
0x81: {  	_ =	shalt  }
0x82: {  	_ =	shalt  }
0x83: {  	_ =	shalt  }
0x84: {  	_ =	shalt  }
0x85: {  	_ =	shalt  }
0x86: {  	_ =	shalt  }
0x87: {  	_ =	shalt  }
.Lfunc_end0:
.L_simem_size_0:
called_computation_lowered:
.L_overlay_start_0:
0x88: {  	s2 =	sld [smem:$0x3FD9]  }
0x89: {  	s3 =	sld [smem:$0x3FFE];
	_ =	sdelay $0x1  }
0x8a: {  	s1 =	srdreg.scid  }
0x8b: {  	s0 =	sand.u32 $0x1, s1  }
0x8c: {  	s16 =	sshll.u32 s0, $0xA;
	s2 =	sadd.s32 s3, s2  }
0x8d: {  	s2 =	sadd.s32 s2, s16  }
0x8e: {  	[smem:$0x3FBC] =	sst s2  }
0x8f: {  	_ = 	snop  }
0x90: {  	(tm) =	ssettm $0x1  }
0x91: {  	s17 =	sld [smem:$0x3FFB];
	_ =	sdelay $0x3  }
0x92: {  	_ =	strace s17  }
0x93: {  	s2 =	sld [smem:$0x3FFC];
	_ =	sdelay $0x3  }
0x94: {  	_ =	strace s2  }
0x95: {  	s2 =	sld [smem:$0x3FFD];
	_ =	sdelay $0x3  }
0x96: {  	_ =	strace s2  }
0x97: {  	_ =	strace $0x8FFFFFFF  }
0x98: {  	s18 =	sld [smem:$0x3FDB];
	_ =	sdelay $0x1  }
0x99: {  	s19 =	simm.s32 $_scs_section_size  }
0x9a: {  	s4 =	simm.s32 $_size__tile_overlayer_lowered;
	s5 =	simm.s32 $_tile_overlayer_lowered  }
0x9b: {  	s22 =	simm.s32 $0x1BFF;
	s21 =	sshll.u32 s5, $0x1;
	s2 =	sadd.s32 s19, s18  }
0x9c: {  	s6 =	simm.s32 $0x0;
	s20 =	sshll.u32 s4, $0x1;
	s4 =	sadd.s32 s21, s2  }
0x9d: {  	[timem:s6], [sflag:s22] =	dma.local [hbm:s4], s20  }
0x9e: {  	_ =	swait.ge [sflag:s22], s20  }
0x9f: {  	s3 =	ssub.s32 $0x0, s20;
	[sflag:s22] =	ssyncset.done $0x0  }
0xa0: {  	[sflag:s22] =	ssyncadd.s32 s3;
	_ =	sdelay $0x1  }
0xa1: {  	s23 =	simm.s32 $0x1B8B  }
0xa2: {  	_ =	swait.ge [sflag:s23], $0x1  }
0xa3: {  	[sflag:s23] =	ssyncset.done $0x0  }
0xa4: {  	s25 =	simm.s32 $0x1B8E;
	s24 =	sld [smem:$0x3FFE];
	[sflag:s23] =	ssyncadd.s32 $0xFFFFFFFF  }
0xa5: {  	s26 =	simm.s32 $execute0_lowered;
	[smem:$0x3FD2] =	sst s25  }
0xa6: {  	s4 =	sshll.u32 s26, $0x1;
	_ =	strace $0x80000049;
	[dreg:$0x1] =	wrdreg $0xFFFFFFFF  }
0xa7: {  	s28 =	simm.s32 $_size_execute0_lowered;
	s2 =	sadd.s32 s2, s4;
	[dreg:$0x0] =	wrdreg $0x0  }
0xa8: {  	s4 =	sshll.u32 s28, $0x1;
	[dreg:$0x2] =	wrdreg s2  }
0xa9: {  	[dreg:$0x3] =	wrdreg s4  }
0xaa: {  	[dreg:$0x4] =	wrdreg $0xC0  }
0xab: {  	_ =	task [dreg:s6], $0x5FFFF  }
0xac: {  	[dreg:$0x1] =	wrdreg $0xFFFFFFFF  }
0xad: {  	[dreg:$0x0] =	wrdreg $0x60  }
0xae: {  	[dreg:$0x2] =	wrdreg s24  }
0xaf: {  	[dreg:$0x3] =	wrdreg $0x9  }
0xb0: {  	_ =	task.clear_ibuf [dreg:s6], $0x4FFFF;
	_ =	strace $0x90000049  }
0xb1: {  	s29 =	simm.s32 $0x9;
	_ =	strace $0x8000004B  }
0xb2: {  	_ =	swait.ge [sflag:s29], $0x1  }
0xb3: {  	[sflag:s29] =	ssyncadd.s32 $0xFFFFFFFF  }
0xb4: {  	_ =	strace $0x9000004B  }
0xb5: {  	_ =	sfence  }
0xb6: {  	s30 =	sld [smem:$0x0];
	_ =	sdelay $0x2  }
0xb7: {  	s31 =	sshll.u32 s1, $0xD;
	s1 =	sshrl.u32 s1, $0x2  }
0xb8: {  	s3 =	sand.u32 $0x4000, s31;
	s1 =	sadd.s32 s1, s30  }
0xb9: {  	s0 =	sor.u32 s3, s0;
	s1 =	sshll.u32 s1, $0x11  }
0xba: {  	s0 =	sor.u32 s1, s0  }
0xbb: {  	s0 =	sadd.s32 $0x8F2B, s0  }
0xbc: {  	[sflag:s0] =	ssyncadd.remote.s32 $0x1  }
0xbd: {  	_ =	sfence.sel $0xFFFF  }
0xbe: {  	[dreg:$0x0] =	wrdreg $0xFFFFFFFF;
	(pc) =	sbr.abs _section_cstart, $3  }
0xbf: {  	[dreg:$0x1] =	wrdreg $0xFFFFFFFF  }
0xc0: {  	_ =	task.clear_ibuf [dreg:s6], $0x2FFFF;
	_ =	strace $0x9FFFFFFF  }
0xc1: {  	(tm) =	ssettm $0x7FFFFFFF  }
tec
execute0_lowered:
.L_overlay_start_1:
0x0: {  	(tag) =	ssettag $0x1  }
0x1: {  	s0 =	stileid.u32;
	s1 =	srdreg.scid  }
0x2: {  	s1 =	sand.u32 $0x1, s1;
	s2 =	sshll.u32 s0, $0x1  }
0x3: {  	s1 =	sor.u32 s2, s1  }
0x4: {  	s2 =	smul.u32 $0x50, s1;
	_ =	sdelay $0x1  }
0x5: {  	s6 =	ssub.s32 $0x55A0, s2  }
0x6: {  	s31 =	smul.u32 $0x6667, s6  }
0x7: {  	s8 =	rddreg [dreg:$0x0];
	s5 =	simm.s32 $0x1;
	s10 =	simm.s32 $0x3  }
0x8: {  	s13 =	simm.s32 $0x0;
	s12 =	simm.s32 $0x0;
	s7 =	sshrl.u32 s31, $0x1A  }
0x9: {  	s3 =	sadd.s32 $0x37000, s8;
	s4 =	sadd.s32 $0x1800, s8;
	s9 =	smul.u32 $0xA00, s7  }
.Ltmp0:
0xa: {  	s8 =	sadd.s32 $0x36400, s8;
	s1 =	rddreg [dreg:$0x1];
	(pc) =	sbr.rel .LBB2_1-.Ltmp0, $4  }
0xb: {  	_ =	strace $0x8000004A;
	p0 =	sne.s32 s6, s9;
	s9 =	simm.s32 $0x1  }
0xc: {  	[sflag:s5] =	ssyncpa.u1 $0x0;
	s6 =	simm.s32 $0x2;
	s9 =	simm.s32 @!p0 $0x0  }
0xd: {  	s11 =	smov.u32 s2;
	[sflag:s6] =	ssyncpa.u1 $0x0;
	s7 =	sadd.s32 s7, s9  }
0xe: {  	vm0 =	vmmov $0xffff;
	[sflag:s10] =	ssyncpa.u1 $0x0;
	s10 =	simm.s32 $0x0;
	s9 =	sadd.s32 $0x1, s7  }
.LBB2_4:
0xf: {  	vm1 =	veq.s32 v4, $0x80000000;
	v56 =	vand.u32 $0x3, v4;
	v6 =	vand.u32 $0x1FFF, v6  }
0x10: {  	v2 =	vor.u32 v2, v5;
	v59 =	vshrl.u32 v1, $0x2;
	v60 =	vand.u32 $0x3, v1  }
0x11: {  	v4 =	vsel vm1, $0xFFFFFFFF, v56;
	v6 =	vsel vm1, $0xFFFFFFFF, v6;
	v2 =	vor.u32 v3, v2  }
0x12: {  	vm1 =	veq.s32 v1, $0x80000000;
	v5 =	vand.u32 $0x1FFF, v59;
	v7 =	vshrl.u32 v4, $0x2  }
0x13: {  	v57 =	vshll.u32 v6, $0x2;
	v4 =	vshll.u32 v4, $0x7;
	v1 =	vsel vm1, $0xFFFFFFFF, v60  }
0x14: {  	v5 =	vsel vm1, $0xFFFFFFFF, v5;
	v6 =	vand.u32 $0x7F, v6;
	v7 =	vmul.u32 $0x5600, v7  }
0x15: {  	v58 =	vand.u32 $0xFFFFFE00, v57;
	v4 =	vand.u32 $0x180, v4;
	v61 =	vshrl.u32 v1, $0x2  }
0x16: {  	v62 =	vshll.u32 v5, $0x2;
	v3 =	vadd.s32 v7, v58;
	v7 =	vmul.u32 $0x5600, v61  }
0x17: {  	v1 =	vshll.u32 v1, $0x7;
	v3 =	vor.u32 v4, v3;
	v4 =	vand.u32 $0xFFFFFE00, v62  }
0x18: {  	v1 =	vand.u32 $0x180, v1;
	v3 =	vor.u32 v6, v3;
	v4 =	vadd.s32 v7, v4  }
0x19: {  	[tilespmem:s16], [sflag:$0x1] =	stream.indirect_vreg.gather [hbm4b:s3+s10], $0x1, v0, vm0, $0x4038;
	v63 =	vand.u32 $0x7F, v5;
	v1 =	vor.u32 v1, v4;
	[tilespmem:$0x140] =	vst v63  }
0x1a: {  	s15 =	sadd.s32 $0x10, s15;
	(ifvalue) =	ssetifvalue $0x7FFFFFFF;
	v0 =	vor.u32 v63, v1  }
0x1b: {  	[tilespmem:s15], [sflag:$0x1] =	stream.indirect_vreg.gather [hbm4b:s3+s10], $0x1, v2, vm0, $0x4038;
	[tilespmem:$0x140] =	vst v63  }
0x1c: {  	s15 =	sadd.s32 $0x10, s15;
	(ifvalue) =	ssetifvalue $0x7FFFFFFF  }
0x1d: {  	[tilespmem:s15], [sflag:$0x1] =	stream.indirect_vreg.gather [hbm4b:s3+s10], $0x1, v3, vm0, $0x4038;
	[tilespmem:$0x140] =	vst v63  }
0x1e: {  	s15 =	sadd.s32 $0x10, s15;
	(ifvalue) =	ssetifvalue $0x7FFFFFFF  }
0x1f: {  	[tilespmem:s15], [sflag:$0x1] =	stream.indirect_vreg.gather [hbm4b:s3+s10], $0x1, v0, vm0, $0x4038;
	[tilespmem:$0x140] =	vst v63  }
0x20: {  	_ =	swait.ge [sflag:s5], $0x50  }
0x21: {  	s30 =	sshrl.u32 s13, $0x3;
	[sflag:s5] =	ssyncset.done $0x0  }
0x22: {  	s31 =	sand.u32 $0x7, s13;
	s15 =	sadd.s32 s8, s30;
	[sflag:s5] =	ssyncadd.s32 $0xFFFFFFB0  }
0x23: {  	[hbm4b:s15+s31] =	stream.linear.scatter [tilespmem:s14], [sflag:$0x3], $0x50, $0x38;
	[tilespmem:$0x140] =	vst v63  }
.LBB2_5:
0x24: {  	s15 =	sadd.s32 $0xA00, s11  }
0x25: {  	p1 =	sgt.s32 s15, $0x559F  }
0x26: {  	s15 =	smov.u32 @p1 s2;
	p1 =	sne.s32 s12, s9  }
.Ltmp1:
0x27: {  	p0 =	slt.u32 s12, $0x2;
	(pc) =	sbr.rel @!p1 .LBB2_6-.Ltmp1, $4  }
0x28: {  	s14 =	simm.s32 @!p0 $0x3  }
0x29: {  	_ =	swait.ge @!p0 [sflag:s14], $0x50  }
0x2a: {  	s16 =	sadd.s32 $0x1, s12;
	s13 =	smov.u32 s11;
	[sflag:s14] =	ssyncset.done @!p0 $0x0  }
0x2b: {  	s12 =	smov.u32 s16;
	s11 =	smov.u32 s15;
	[sflag:s14] =	ssyncadd.s32 @!p0 $0xFFFFFFB0  }
.LBB2_1:
0x2c: {  	p0 =	sge.u32 s12, s7  }
0x2d: {  	s14 =	sxor.u32 @!p0 $0xFFFFFFFF, s12  }
0x2e: {  	s14 =	sand.u32 @!p0 $0x1, s14  }
0x2f: {  	s14 =	smul.u32 @!p0 $0x140, s14  }
0x30: {  	s31 =	sadd.s32 $0xFFFFFFFF, s12;
	s15 =	sshrl.u32 @!p0 s11, $0x3  }
0x31: {  	s16 =	sand.u32 @!p0 $0x7, s11;
	s15 =	sadd.s32 @!p0 s4, s15;
	s14 =	sshrl.u32 @!p0 s14, $0x2  }
0x32: {  	[tilespmem:s14], [sflag:$0x2] =	stream.linear.gather @!p0 [hbm4b:s15+s16], $0x50, $0x38;
	[tilespmem:$0x140] =	vst v63  }
0x33: {  	p0 =	sge.u32 s31, s7  }
.Ltmp2:
0x34: {  	_ = 	snop;
	(pc) =	sbr.rel @p0 .LBB2_5-.Ltmp2, $1  }
0x35: {  	_ =	sdelay $0x3  }
0x36: {  	s14 =	sand.u32 $0x1, s12  }
0x37: {  	_ =	swait.ge [sflag:s6], $0x50;
	p0 =	seq.s32 s14, $0x1;
	s14 =	simm.s32 $0x50  }
0x38: {  	[sflag:s6] =	ssyncset.done $0x0;
	s14 =	simm.s32 @!p0 $0x0  }
0x39: {  	[sflag:s6] =	ssyncadd.s32 $0xFFFFFFB0;
	(ifvalue) =	ssetifvalue $0x7FFFFFFF;
	v0 =	vld.msk [tilespmem:s14+$0x0 ss:$0x1], $0xffff  }
0x3a: {  	s15 =	sadd.s32 $0x10, s14  }
0x3b: {  	v1 =	vld.msk [tilespmem:s15+$0x0 ss:$0x1], $0xffff;
	_ =	sdelay $0x2  }
0x3c: {  	v2 =	vshrl.u32 v0, $0x2  }
0x3d: {  	vm1 =	veq.s32 v0, $0x80000000;
	v0 =	vand.u32 $0x3, v0;
	v2 =	vand.u32 $0x1FFF, v2  }
0x3e: {  	v0 =	vsel vm1, $0xFFFFFFFF, v0;
	v6 =	vshrl.u32 v1, $0x2;
	v2 =	vsel vm1, $0xFFFFFFFF, v2  }
0x3f: {  	v3 =	vshrl.u32 v0, $0x2;
	v0 =	vshll.u32 v0, $0x7;
	vm1 =	veq.s32 v1, $0x80000000  }
0x40: {  	s15 =	sadd.s32 $0x10, s15;
	v1 =	vand.u32 $0x3, v1;
	v4 =	vshll.u32 v2, $0x2;
	v3 =	vmul.u32 $0x5600, v3  }
0x41: {  	v0 =	vand.u32 $0x180, v0;
	v7 =	vand.u32 $0x7F, v2;
	v5 =	vand.u32 $0xFFFFFE00, v4;
	v4 =	vld.msk [tilespmem:s15+$0x0 ss:$0x1], $0xffff  }
0x42: {  	v1 =	vsel vm1, $0xFFFFFFFF, v1;
	v2 =	vadd.s32 v3, v5;
	v3 =	vand.u32 $0x1FFF, v6  }
0x43: {  	v3 =	vsel vm1, $0xFFFFFFFF, v3;
	v0 =	vor.u32 v0, v2;
	v2 =	vshrl.u32 v1, $0x2  }
0x44: {  	v1 =	vshll.u32 v1, $0x7;
	v5 =	vshll.u32 v3, $0x2;
	v8 =	vmul.u32 $0x5600, v2  }
0x45: {  	s18 =	simm.s32 $0x30;
	s14 =	sor.u32 $0xA0, s14;
	s17 =	sadd.s32 $0x10, s15;
	v2 =	vand.u32 $0x180, v1;
	v0 =	vor.u32 v7, v0;
	v5 =	vand.u32 $0xFFFFFE00, v5  }
0x46: {  	s16 =	smov.u32 s14;
	s15 =	smov.u32 s14;
	v1 =	vld.msk [tilespmem:s17+$0x0 ss:$0x1], $0xffff;
	v3 =	vand.u32 $0x7F, v3;
	(ifvalue) =	ssetifvalue $0x7FFFFFFF;
	v6 =	vshrl.u32 v4, $0x2;
	v5 =	vadd.s32 v8, v5  }
.LBB2_3:
0x47: {  	s18 =	sadd.s32 $0x10, s18  }
0x48: {  	vm1 =	veq.s32 v4, $0x80000000;
	v4 =	vand.u32 $0x3, v4;
	v6 =	vand.u32 $0x1FFF, v6;
	s15 =	sadd.s32 $0x10, s15;
	p0 =	slt.u32 s18, $0x40  }
.Ltmp3:
0x49: {  	v5 =	vor.u32 v2, v5;
	v4 =	vsel vm1, $0xFFFFFFFF, v4;
	v7 =	vsel vm1, $0xFFFFFFFF, v6;
	(pc) =	sbr.rel @p0 .LBB2_3-.Ltmp3, $4  }
0x4a: {  	v2 =	vshrl.u32 v4, $0x2;
	v6 =	vshll.u32 v7, $0x2;
	v4 =	vshll.u32 v4, $0x7;
	[tilespmem:s16], [sflag:$0x1] =	stream.indirect_vreg.gather [hbm4b:s3+s10], $0x1, v0, vm0, $0x4038;
	[tilespmem:$0x140] =	vst v63  }
0x4b: {  	v0 =	vor.u32 v3, v5;
	s16 =	smov.u32 s15;
	v8 =	vmul.u32 $0x5600, v2;
	v2 =	vand.u32 $0x180, v4  }
0x4c: {  	s17 =	sadd.s32 $0x10, s17;
	v9 =	vand.u32 $0xFFFFFE00, v6  }
0x4d: {  	v3 =	vand.u32 $0x7F, v7;
	v6 =	vshrl.u32 v1, $0x2;
	v5 =	vadd.s32 v8, v9;
	(ifvalue) =	ssetifvalue $0x7FFFFFFF;
	v4 =	vmovc v1;
	v1 =	vld.msk [tilespmem:s17+$0x0 ss:$0x1], $0xffff  }
.Ltmp4:
0x4e: {  	_ = 	snop;
	(pc) =	sbr.rel .LBB2_4-.Ltmp4, $1  }
0x4f: {  	_ =	sdelay $0x3  }
.LBB2_6:
0x50: {  	_ =	sfence.sel $0x180000  }
0x51: {  	s2 =	simm.s32 $0x2;
	[bflag:$0x0] =	sbarrier.arrive $0xFFFF  }
0x52: {  	s30 =	simm.s32 $0x3;
	[sflag:s2] =	ssyncpa.u1 $0x1  }
0x53: {  	s31 =	simm.s32 $0x1;
	[sflag:s30] =	ssyncpa.u1 $0x1  }
0x54: {  	[sflag:s31] =	ssyncpa.u1 $0x1  }
0x55: {  	p0 =	sne.s32 s0, $0x0;
	_ =	strace $0x9000004A  }
0x56: {  	s0 =	sadd.s32 @!p0 $0x100000, s1;
	[bflag:$0x2] =	sbarrier.arrive $0xFFFF  }
0x57: {  	[sflag:s0] =	ssyncadd.tile.s32 @!p0 $0x1;
	_ =	shalt  }
.Lfunc_end2:
_tile_overlayer_lowered:
.L_overlay_start_2:
0x58: {  	(tag) =	ssettag $0x2  }
0x59: {  	s0 =	rddreg [dreg:$0x0];
	s2 =	stileid.u32  }
0x5a: {  	s1 =	rddreg [dreg:$0x1];
	p0 =	sne.s32 s2, $0x0  }
0x5b: {  	s3 =	rddreg [dreg:$0x2];
	[bflag:$0x3] =	sbarrier.arrive $0xFFFF;
	s2 =	simm.s32 @!p0 $0x1C01  }
0x5c: {  	[timem:s3], [sflag:s2] =	dma.local @!p0 [hbm:s0], s1  }
0x5d: {  	s0 =	simm.s32 @!p0 $0x1  }
0x5e: {  	_ =	swait.ge @!p0 [sflag:s0], s1  }
0x5f: {  	s1 =	ssub.s32 @!p0 $0x0, s1;
	[sflag:s0] =	ssyncset.done @!p0 $0x0  }
0x60: {  	[sflag:s0] =	ssyncadd.s32 @!p0 s1  }
0x61: {  	[bflag:$0x3] =	sbarrier.arrive $0xFFFF  }
0x62: {  	_ =	shalt  }

</sc_bundles>
